<compile_context>
chip_gen: v7x
topology: tpu7x:2x2x1
jax: 0.10.2.dev20260603
libtpu: 0.0.44.dev20260713+nightly
codegen_flags: <defaults>
</compile_context>

<pallas_src>
import functools

import jax
import jax.numpy as jnp
from jax import lax
from jax.experimental import pallas as pl
from jax.experimental.pallas import tpu as pltpu
from jax.experimental.pallas import tpu_sc as plsc

_TAU = 1.0
_EPS = 1e-30
_LN_EPS = 1e-5

_NC = 2
_NS = 16
_NB = 3


def _sc_segment_sum(ex, src3, dst3, zeros, n, d, nch, ch):
    npc = n // _NS
    nb = _NB

    def body(ex_hbm, src_hbm, dst_hbm, z_hbm, out_hbm, acc, sidx, didx, *bufs):
        rows = bufs[:nb]
        gsem = bufs[nb:2 * nb]
        ssem = bufs[2 * nb:3 * nb]
        c = lax.axis_index("c")
        s = lax.axis_index("s")
        wid = s * _NC + c
        pltpu.sync_copy(z_hbm, acc.at[pl.ds(s * npc, npc)])
        pltpu.sync_copy(src_hbm.at[wid], sidx)
        pltpu.sync_copy(dst_hbm.at[wid], didx)
        plsc.subcore_barrier()

        for b in range(nb):
            pltpu.async_copy(ex_hbm.at[sidx.at[b]], rows[b], gsem[b])

        def round_body(r, carry):
            for b in range(nb):
                j = r * nb + b
                pltpu.make_async_copy(ex_hbm.at[sidx.at[j]], rows[b],
                                      gsem[b]).wait()
                pltpu.async_copy(rows[b], acc.at[didx.at[j]], ssem[b],
                                 add=True)
                pltpu.make_async_copy(rows[b], acc.at[didx.at[j]],
                                      ssem[b]).wait()

                @pl.when(j + nb < nch)
                def _():
                    pltpu.async_copy(ex_hbm.at[sidx.at[j + nb]], rows[b],
                                     gsem[b])
            return carry

        lax.fori_loop(0, nch // nb, round_body, 0)
        for j in range((nch // nb) * nb, nch):
            b = j % nb
            pltpu.make_async_copy(ex_hbm.at[sidx.at[j]], rows[b],
                                  gsem[b]).wait()
            pltpu.sync_copy(rows[b], acc.at[didx.at[j]], add=True)
        plsc.subcore_barrier()
        pltpu.sync_copy(acc.at[pl.ds(s * npc, npc)],
                        out_hbm.at[pl.ds(c * n + s * npc, npc)])

    fn = pl.kernel(
        body,
        out_type=jax.ShapeDtypeStruct((_NC * n, d), jnp.float32),
        mesh=plsc.VectorSubcoreMesh(core_axis_name="c", subcore_axis_name="s"),
        scratch_types=(
            [pltpu.VMEM_SHARED((n, d), jnp.float32),
             pltpu.VMEM((nch, ch), jnp.int32),
             pltpu.VMEM((nch, ch), jnp.int32)]
            + [pltpu.VMEM((ch, d), jnp.float32) for _ in range(nb)]
            + [pltpu.SemaphoreType.DMA for _ in range(2 * nb)]
        ),
        compiler_params=pltpu.CompilerParams(use_tc_tiling_on_sc=False),
    )
    return fn(ex, src3, dst3, zeros)


def _exp_body(x_ref, o_ref):
    o_ref[...] = jnp.exp(x_ref[...] * (1.0 / _TAU))


def _xw_body(x_ref, wx_ref, b_ref, o_ref):
    o_ref[...] = jnp.dot(x_ref[...], wx_ref[...],
                         preferred_element_type=jnp.float32) + b_ref[...]


def _fin_body(xw_ref, p0_ref, p1_ref, wa_ref, g_ref, be_ref, o_ref):
    s = p0_ref[...] + p1_ref[...]
    agg = jnp.where(s > 0.0, _TAU * jnp.log(jnp.maximum(s, _EPS)), 0.0)
    h = xw_ref[...] + jnp.dot(agg, wa_ref[...],
                              preferred_element_type=jnp.float32)
    mean = jnp.mean(h, axis=-1, keepdims=True)
    hc = h - mean
    var = jnp.mean(hc * hc, axis=-1, keepdims=True)
    h = hc * lax.rsqrt(var + _LN_EPS) * g_ref[...] + be_ref[...]
    o_ref[...] = jnp.maximum(h, 0.0)


def kernel(x, edge_src, edge_dst, W, b, gamma, beta):
    n, d_in = x.shape
    e = edge_src.shape[0]
    d_out = W.shape[0]

    nw = _NC * _NS
    ep = e // nw
    assert ep * nw == e
    ch = 80
    nch = ep // ch
    assert nch * ch == ep
    assert n % _NS == 0

    g1 = 10 if n % 10 == 0 and (n // 10) % 8 == 0 else 1
    ex = pl.pallas_call(
        _exp_body,
        out_shape=jax.ShapeDtypeStruct((n, d_in), jnp.float32),
        grid=(g1,),
        in_specs=[pl.BlockSpec((n // g1, d_in), lambda i: (i, 0))],
        out_specs=pl.BlockSpec((n // g1, d_in), lambda i: (i, 0)),
    )(x)

    src3 = edge_src.reshape(nw, nch, ch)
    dst3 = edge_dst.reshape(nw, nch, ch)
    zeros = jnp.zeros((n // _NS, d_in), jnp.float32)
    p = _sc_segment_sum(ex, src3, dst3, zeros, n, d_in, nch, ch)

    wx = W[:, :d_in].T
    wa = W[:, d_in:].T
    b2 = b.reshape(1, d_out)
    g2 = gamma.reshape(1, d_out)
    be2 = beta.reshape(1, d_out)

    r = 1000
    grid = n // r
    assert grid * r == n
    full = lambda i: (0, 0)
    xw = pl.pallas_call(
        _xw_body,
        out_shape=jax.ShapeDtypeStruct((n, d_out), jnp.float32),
        grid=(grid,),
        in_specs=[
            pl.BlockSpec((r, d_in), lambda i: (i, 0)),
            pl.BlockSpec((d_in, d_out), full),
            pl.BlockSpec((1, d_out), full),
        ],
        out_specs=pl.BlockSpec((r, d_out), lambda i: (i, 0)),
    )(x, wx, b2)

    out = pl.pallas_call(
        _fin_body,
        out_shape=jax.ShapeDtypeStruct((n, d_out), jnp.float32),
        grid=(grid,),
        in_specs=[
            pl.BlockSpec((r, d_out), lambda i: (i, 0)),
            pl.BlockSpec((r, d_in), lambda i: (i, 0)),
            pl.BlockSpec((r, d_in), lambda i: (i + grid, 0)),
            pl.BlockSpec((d_in, d_out), full),
            pl.BlockSpec((1, d_out), full),
            pl.BlockSpec((1, d_out), full),
        ],
        out_specs=pl.BlockSpec((r, d_out), lambda i: (i, 0)),
    )(xw, p, p, wa, g2, be2)
    return out

# --- scband reference (transcript-rebuilt; emitter-appended) ---
"""Pipeline reference for scband-graph-sagelayer-4209067950556 (READ-ONLY COPY).

The authoritative reference and input builder live on the scoring server;
editing this copy changes nothing except your own understanding.
"""

import jax, jax.numpy as jnp
import numpy as np

N = 10000
E = 320000
D_IN = 128
D_OUT = 128
TAU = 1.0
EPS = 1e-30
LN_EPS = 1e-5


def setup_inputs(seed: int = 0) -> dict:
    key = jax.random.key(seed)
    k1, k2, k3, k4, k5, k6, k7 = jax.random.split(key, 7)
    x = jax.random.normal(k1, (N, D_IN), dtype=jnp.float32)
    edge_src = jax.random.randint(k2, (E,), 0, N, dtype=jnp.int32)
    edge_dst = jax.random.randint(k3, (E,), 0, N, dtype=jnp.int32)
    # nn.Linear(2*in_dim, out_dim): W [out_dim, 2*in_dim], b [out_dim]
    bound = 1.0 / np.sqrt(2 * D_IN)
    W = jax.random.uniform(k4, (D_OUT, 2 * D_IN), dtype=jnp.float32, minval=-bound, maxval=bound)
    b = jax.random.uniform(k5, (D_OUT,), dtype=jnp.float32, minval=-bound, maxval=bound)
    gamma = jnp.ones((D_OUT,), dtype=jnp.float32)
    beta = jnp.zeros((D_OUT,), dtype=jnp.float32)
    return {"x": x, "edge_src": edge_src, "edge_dst": edge_dst, "W": W, "b": b, "gamma": gamma, "beta": beta}


def _scatter_logsumexp(src, index, dim_size, tau=1.0, eps=1e-30):
    scaled = src.astype(jnp.float32) / float(tau)
    max_val = jax.ops.segment_max(scaled, index, num_segments=dim_size)
    exp_val = jnp.exp(scaled - max_val[index])
    sum_exp = jax.ops.segment_sum(exp_val, index, num_segments=dim_size)
    out = float(tau) * (max_val + jnp.log(jnp.clip(sum_exp, eps)))
    deg = jnp.bincount(index, length=dim_size)
    has_nbr = deg > 0
    out = jnp.where(has_nbr[:, None], out, 0.0)
    return out


def reference(x, edge_src, edge_dst, W, b, gamma, beta):
    src_feat = x[edge_src]                       # gather [E, D]
    agg = _scatter_logsumexp(src_feat, edge_dst, dim_size=N, tau=TAU, eps=EPS)
    h = jnp.concatenate([x, agg], axis=-1)       # [N, 2*D_IN]
    h = h @ W.T + b                              # linear
    mean = jnp.mean(h, axis=-1, keepdims=True)
    var = jnp.var(h, axis=-1, keepdims=True)
    h = (h - mean) / jnp.sqrt(var + LN_EPS) * gamma + beta
    h = jax.nn.relu(h)
    return h

if __name__ == "__main__":
    import jax
    _d = setup_inputs()
    print(jax.jit(kernel)(*tuple(_d.values())))

</pallas_src>

<mosaic_0001>
#map = affine_map<(d0, d1) -> (0, 0)>
#map1 = affine_map<(d0, d1) -> (0, 0, 0)>
module attributes {stable_mosaic.version = 14 : i64} {
  func.func @body(%arg0: i32, %arg1: i32, %arg2: memref<10000x128xf32, #tpu.memory_space<hbm>>, %arg3: memref<32x125x80xi32, #tpu.memory_space<hbm>>, %arg4: memref<32x125x80xi32, #tpu.memory_space<hbm>>, %arg5: memref<625x128xf32, #tpu.memory_space<hbm>>, %arg6: memref<20000x128xf32, #tpu.memory_space<hbm>>, %arg7: memref<10000x128xf32, #tpu.memory_space<vmem_shared>>, %arg8: memref<125x80xi32, #tpu.memory_space<vmem>>, %arg9: memref<125x80xi32, #tpu.memory_space<vmem>>, %arg10: memref<80x128xf32, #tpu.memory_space<vmem>>, %arg11: memref<80x128xf32, #tpu.memory_space<vmem>>, %arg12: memref<80x128xf32, #tpu.memory_space<vmem>>, %arg13: memref<!tpu.dma_semaphore, #tpu.memory_space<semaphore_mem>>, %arg14: memref<!tpu.dma_semaphore, #tpu.memory_space<semaphore_mem>>, %arg15: memref<!tpu.dma_semaphore, #tpu.memory_space<semaphore_mem>>, %arg16: memref<!tpu.dma_semaphore, #tpu.memory_space<semaphore_mem>>, %arg17: memref<!tpu.dma_semaphore, #tpu.memory_space<semaphore_mem>>, %arg18: memref<!tpu.dma_semaphore, #tpu.memory_space<semaphore_mem>>) attributes {dimension_semantics = [#tpu.dimension_semantics<core_parallel>, #tpu.dimension_semantics<subcore_parallel>], iteration_bounds = array<i64: 2, 16>, scalar_prefetch = 0 : i64, scratch_operands = 12 : i64, tpu.core_type = #tpu.core_type<sc_vector_subcore>, window_params = [{transform_indices = #map}, {transform_indices = #map1}, {transform_indices = #map1}, {transform_indices = #map}, {transform_indices = #map}]} {
    %mul3A = arith.constant 2 : i32
    %mul3A_0 = arith.muli %arg1, %mul3A : i32
    %add3A = arith.addi %mul3A_0, %arg0 : i32
    %mul3A_1 = arith.constant 625 : i32
    %mul3A_2 = arith.muli %arg1, %mul3A_1 : i32
    "tpu.region"() ({
      %run_scoped3A_50 = tpu.sem_alloc : memref<!tpu.dma_semaphore, #tpu.memory_space<semaphore_mem>>
      %dma_start3A_51 = arith.constant 0 : i32
      %dma_start3A_52 = tpu.memref_slice %arg7[%mul3A_2, %dma_start3A_51] : memref<10000x128xf32, #tpu.memory_space<vmem_shared>> -> memref<625x128xf32, #tpu.memory_space<vmem_shared>>
      tpu.enqueue_dma source(%arg5 : memref<625x128xf32, #tpu.memory_space<hbm>>) target(%dma_start3A_52 : memref<625x128xf32, #tpu.memory_space<vmem_shared>>) target_semaphore(%run_scoped3A_50 : memref<!tpu.dma_semaphore, #tpu.memory_space<semaphore_mem>>)
      %dma_wait3A_53 = arith.constant 0 : i32
      %dma_wait3A_54 = tpu.memref_slice %arg7[%mul3A_2, %dma_wait3A_53] : memref<10000x128xf32, #tpu.memory_space<vmem_shared>> -> memref<625x128xf32, #tpu.memory_space<vmem_shared>>
      tpu.wait_dma2 semaphore(%run_scoped3A_50 : memref<!tpu.dma_semaphore, #tpu.memory_space<semaphore_mem>>) src(%arg5 : memref<625x128xf32, #tpu.memory_space<hbm>>) dst(%dma_wait3A_54 : memref<625x128xf32, #tpu.memory_space<vmem_shared>>)
      tpu.yield
    }) : () -> ()
    "tpu.region"() ({
      %run_scoped3A_50 = tpu.sem_alloc : memref<!tpu.dma_semaphore, #tpu.memory_space<semaphore_mem>>
      %dma_start3A_51 = arith.constant 0 : i32
      %dma_start3A_52 = arith.constant 0 : i32
      %dma_start3A_53 = tpu.memref_slice %arg3[%add3A, %dma_start3A_51, %dma_start3A_52] : memref<32x125x80xi32, #tpu.memory_space<hbm>> -> memref<1x125x80xi32, #tpu.memory_space<hbm>>
      %dma_start3A_54 = tpu.memref_squeeze %dma_start3A_53 : memref<1x125x80xi32, #tpu.memory_space<hbm>> -> memref<125x80xi32, #tpu.memory_space<hbm>>
      %dma_start3A_55 = arith.constant 0 : i32
      %dma_start3A_56 = arith.constant 0 : i32
      %dma_start3A_57 = tpu.memref_slice %arg3[%add3A, %dma_start3A_55, %dma_start3A_56] : memref<32x125x80xi32, #tpu.memory_space<hbm>> -> memref<1x125x80xi32, #tpu.memory_space<hbm>>
      %dma_start3A_58 = tpu.memref_squeeze %dma_start3A_57 : memref<1x125x80xi32, #tpu.memory_space<hbm>> -> memref<125x80xi32, #tpu.memory_space<hbm>>
      tpu.enqueue_dma source(%dma_start3A_58 : memref<125x80xi32, #tpu.memory_space<hbm>>) target(%arg8 : memref<125x80xi32, #tpu.memory_space<vmem>>) target_semaphore(%run_scoped3A_50 : memref<!tpu.dma_semaphore, #tpu.memory_space<semaphore_mem>>)
      %dma_wait3A_59 = arith.constant 0 : i32
      %dma_wait3A_60 = arith.constant 0 : i32
      %dma_wait3A_61 = tpu.memref_slice %arg3[%add3A, %dma_wait3A_59, %dma_wait3A_60] : memref<32x125x80xi32, #tpu.memory_space<hbm>> -> memref<1x125x80xi32, #tpu.memory_space<hbm>>
      %dma_wait3A_62 = tpu.memref_squeeze %dma_wait3A_61 : memref<1x125x80xi32, #tpu.memory_space<hbm>> -> memref<125x80xi32, #tpu.memory_space<hbm>>
      %dma_wait3A_63 = arith.constant 0 : i32
      %dma_wait3A_64 = arith.constant 0 : i32
      %dma_wait3A_65 = tpu.memref_slice %arg3[%add3A, %dma_wait3A_63, %dma_wait3A_64] : memref<32x125x80xi32, #tpu.memory_space<hbm>> -> memref<1x125x80xi32, #tpu.memory_space<hbm>>
      %dma_wait3A_66 = tpu.memref_squeeze %dma_wait3A_65 : memref<1x125x80xi32, #tpu.memory_space<hbm>> -> memref<125x80xi32, #tpu.memory_space<hbm>>
      tpu.wait_dma2 semaphore(%run_scoped3A_50 : memref<!tpu.dma_semaphore, #tpu.memory_space<semaphore_mem>>) src(%dma_wait3A_66 : memref<125x80xi32, #tpu.memory_space<hbm>>) dst(%arg8 : memref<125x80xi32, #tpu.memory_space<vmem>>)
      tpu.yield
    }) : () -> ()
    "tpu.region"() ({
      %run_scoped3A_50 = tpu.sem_alloc : memref<!tpu.dma_semaphore, #tpu.memory_space<semaphore_mem>>
      %dma_start3A_51 = arith.constant 0 : i32
      %dma_start3A_52 = arith.constant 0 : i32
      %dma_start3A_53 = tpu.memref_slice %arg4[%add3A, %dma_start3A_51, %dma_start3A_52] : memref<32x125x80xi32, #tpu.memory_space<hbm>> -> memref<1x125x80xi32, #tpu.memory_space<hbm>>
      %dma_start3A_54 = tpu.memref_squeeze %dma_start3A_53 : memref<1x125x80xi32, #tpu.memory_space<hbm>> -> memref<125x80xi32, #tpu.memory_space<hbm>>
      %dma_start3A_55 = arith.constant 0 : i32
      %dma_start3A_56 = arith.constant 0 : i32
      %dma_start3A_57 = tpu.memref_slice %arg4[%add3A, %dma_start3A_55, %dma_start3A_56] : memref<32x125x80xi32, #tpu.memory_space<hbm>> -> memref<1x125x80xi32, #tpu.memory_space<hbm>>
      %dma_start3A_58 = tpu.memref_squeeze %dma_start3A_57 : memref<1x125x80xi32, #tpu.memory_space<hbm>> -> memref<125x80xi32, #tpu.memory_space<hbm>>
      tpu.enqueue_dma source(%dma_start3A_58 : memref<125x80xi32, #tpu.memory_space<hbm>>) target(%arg9 : memref<125x80xi32, #tpu.memory_space<vmem>>) target_semaphore(%run_scoped3A_50 : memref<!tpu.dma_semaphore, #tpu.memory_space<semaphore_mem>>)
      %dma_wait3A_59 = arith.constant 0 : i32
      %dma_wait3A_60 = arith.constant 0 : i32
      %dma_wait3A_61 = tpu.memref_slice %arg4[%add3A, %dma_wait3A_59, %dma_wait3A_60] : memref<32x125x80xi32, #tpu.memory_space<hbm>> -> memref<1x125x80xi32, #tpu.memory_space<hbm>>
      %dma_wait3A_62 = tpu.memref_squeeze %dma_wait3A_61 : memref<1x125x80xi32, #tpu.memory_space<hbm>> -> memref<125x80xi32, #tpu.memory_space<hbm>>
      %dma_wait3A_63 = arith.constant 0 : i32
      %dma_wait3A_64 = arith.constant 0 : i32
      %dma_wait3A_65 = tpu.memref_slice %arg4[%add3A, %dma_wait3A_63, %dma_wait3A_64] : memref<32x125x80xi32, #tpu.memory_space<hbm>> -> memref<1x125x80xi32, #tpu.memory_space<hbm>>
      %dma_wait3A_66 = tpu.memref_squeeze %dma_wait3A_65 : memref<1x125x80xi32, #tpu.memory_space<hbm>> -> memref<125x80xi32, #tpu.memory_space<hbm>>
      tpu.wait_dma2 semaphore(%run_scoped3A_50 : memref<!tpu.dma_semaphore, #tpu.memory_space<semaphore_mem>>) src(%dma_wait3A_66 : memref<125x80xi32, #tpu.memory_space<hbm>>) dst(%arg9 : memref<125x80xi32, #tpu.memory_space<vmem>>)
      tpu.yield
    }) : () -> ()
    %barrier3A = arith.constant 0 : index
    tpu.barrier barrier_id(%barrier3A)
    %dma_start3A = arith.constant 0 : i32
    %dma_start3A_3 = arith.constant 0 : i32
    %dma_start3A_4 = tpu.memref_slice %arg8[%dma_start3A, %dma_start3A_3] : memref<125x80xi32, #tpu.memory_space<vmem>> -> memref<1x80xi32, #tpu.memory_space<vmem>>
    %dma_start3A_5 = tpu.memref_squeeze %dma_start3A_4 : memref<1x80xi32, #tpu.memory_space<vmem>> -> memref<80xi32, #tpu.memory_space<vmem>>
    %dma_start3A_6 = arith.constant 0 : i32
    %dma_start3A_7 = arith.constant 0 : i32
    %dma_start3A_8 = tpu.memref_slice %arg2[%dma_start3A_6, %dma_start3A_7] : memref<10000x128xf32, #tpu.memory_space<hbm>> -> memref<10000x128xf32, #tpu.memory_space<hbm>>
    tpu.enqueue_indirect_dma source(%dma_start3A_8 : memref<10000x128xf32, #tpu.memory_space<hbm>>) target(%arg10 : memref<80x128xf32, #tpu.memory_space<vmem>>) offsets(%dma_start3A_5 : memref<80xi32, #tpu.memory_space<vmem>>) semaphore(%arg13 : memref<!tpu.dma_semaphore, #tpu.memory_space<semaphore_mem>>)
    %dma_start3A_9 = arith.constant 1 : i32
    %dma_start3A_10 = arith.constant 0 : i32
    %dma_start3A_11 = tpu.memref_slice %arg8[%dma_start3A_9, %dma_start3A_10] : memref<125x80xi32, #tpu.memory_space<vmem>> -> memref<1x80xi32, #tpu.memory_space<vmem>>
    %dma_start3A_12 = tpu.memref_squeeze %dma_start3A_11 : memref<1x80xi32, #tpu.memory_space<vmem>> -> memref<80xi32, #tpu.memory_space<vmem>>
    %dma_start3A_13 = arith.constant 0 : i32
    %dma_start3A_14 = arith.constant 0 : i32
    %dma_start3A_15 = tpu.memref_slice %arg2[%dma_start3A_13, %dma_start3A_14] : memref<10000x128xf32, #tpu.memory_space<hbm>> -> memref<10000x128xf32, #tpu.memory_space<hbm>>
    tpu.enqueue_indirect_dma source(%dma_start3A_15 : memref<10000x128xf32, #tpu.memory_space<hbm>>) target(%arg11 : memref<80x128xf32, #tpu.memory_space<vmem>>) offsets(%dma_start3A_12 : memref<80xi32, #tpu.memory_space<vmem>>) semaphore(%arg14 : memref<!tpu.dma_semaphore, #tpu.memory_space<semaphore_mem>>)
    %dma_start3A_16 = arith.constant 2 : i32
    %dma_start3A_17 = arith.constant 0 : i32
    %dma_start3A_18 = tpu.memref_slice %arg8[%dma_start3A_16, %dma_start3A_17] : memref<125x80xi32, #tpu.memory_space<vmem>> -> memref<1x80xi32, #tpu.memory_space<vmem>>
    %dma_start3A_19 = tpu.memref_squeeze %dma_start3A_18 : memref<1x80xi32, #tpu.memory_space<vmem>> -> memref<80xi32, #tpu.memory_space<vmem>>
    %dma_start3A_20 = arith.constant 0 : i32
    %dma_start3A_21 = arith.constant 0 : i32
    %dma_start3A_22 = tpu.memref_slice %arg2[%dma_start3A_20, %dma_start3A_21] : memref<10000x128xf32, #tpu.memory_space<hbm>> -> memref<10000x128xf32, #tpu.memory_space<hbm>>
    tpu.enqueue_indirect_dma source(%dma_start3A_22 : memref<10000x128xf32, #tpu.memory_space<hbm>>) target(%arg12 : memref<80x128xf32, #tpu.memory_space<vmem>>) offsets(%dma_start3A_19 : memref<80xi32, #tpu.memory_space<vmem>>) semaphore(%arg15 : memref<!tpu.dma_semaphore, #tpu.memory_space<semaphore_mem>>)
    %scan3A = arith.constant 0 : i32
    %scan3A_23 = arith.constant 0 : i32
    %scan3A_24 = arith.constant 41 : i32
    %scan3A_25 = arith.addi %scan3A_23, %scan3A_24 : i32
    %scan3A_26 = arith.constant 1 : i32
    scf.for %scan3A_50 = %scan3A_23 to %scan3A_25 step %scan3A_26  : i32 {
      %mul3A_51 = arith.constant 3 : i32
      %mul3A_52 = arith.muli %scan3A_50, %mul3A_51 : i32
      %add3A_53 = arith.constant 0 : i32
      %add3A_54 = arith.addi %mul3A_52, %add3A_53 : i32
      %dma_wait3A_55 = arith.constant 0 : i32
      %dma_wait3A_56 = tpu.memref_slice %arg8[%add3A_54, %dma_wait3A_55] : memref<125x80xi32, #tpu.memory_space<vmem>> -> memref<1x80xi32, #tpu.memory_space<vmem>>
      %dma_wait3A_57 = tpu.memref_squeeze %dma_wait3A_56 : memref<1x80xi32, #tpu.memory_space<vmem>> -> memref<80xi32, #tpu.memory_space<vmem>>
      %dma_wait3A_58 = arith.constant 0 : i32
      %dma_wait3A_59 = arith.constant 0 : i32
      %dma_wait3A_60 = tpu.memref_slice %arg2[%dma_wait3A_58, %dma_wait3A_59] : memref<10000x128xf32, #tpu.memory_space<hbm>> -> memref<10000x128xf32, #tpu.memory_space<hbm>>
      tpu.wait_indirect_dma semaphore(%arg13 : memref<!tpu.dma_semaphore, #tpu.memory_space<semaphore_mem>>) src(%dma_wait3A_60 : memref<10000x128xf32, #tpu.memory_space<hbm>>) dst(%arg10 : memref<80x128xf32, #tpu.memory_space<vmem>>)
      %dma_start3A_61 = arith.constant 0 : i32
      %dma_start3A_62 = tpu.memref_slice %arg9[%add3A_54, %dma_start3A_61] : memref<125x80xi32, #tpu.memory_space<vmem>> -> memref<1x80xi32, #tpu.memory_space<vmem>>
      %dma_start3A_63 = tpu.memref_squeeze %dma_start3A_62 : memref<1x80xi32, #tpu.memory_space<vmem>> -> memref<80xi32, #tpu.memory_space<vmem>>
      %dma_start3A_64 = arith.constant 0 : i32
      %dma_start3A_65 = arith.constant 0 : i32
      %dma_start3A_66 = tpu.memref_slice %arg7[%dma_start3A_64, %dma_start3A_65] : memref<10000x128xf32, #tpu.memory_space<vmem_shared>> -> memref<10000x128xf32, #tpu.memory_space<vmem_shared>>
      tpu.enqueue_indirect_dma source(%arg10 : memref<80x128xf32, #tpu.memory_space<vmem>>) target(%dma_start3A_66 : memref<10000x128xf32, #tpu.memory_space<vmem_shared>>) offsets(%dma_start3A_63 : memref<80xi32, #tpu.memory_space<vmem>>) semaphore(%arg16 : memref<!tpu.dma_semaphore, #tpu.memory_space<semaphore_mem>>) {add = true}
      %dma_wait3A_67 = arith.constant 0 : i32
      %dma_wait3A_68 = tpu.memref_slice %arg9[%add3A_54, %dma_wait3A_67] : memref<125x80xi32, #tpu.memory_space<vmem>> -> memref<1x80xi32, #tpu.memory_space<vmem>>
      %dma_wait3A_69 = tpu.memref_squeeze %dma_wait3A_68 : memref<1x80xi32, #tpu.memory_space<vmem>> -> memref<80xi32, #tpu.memory_space<vmem>>
      %dma_wait3A_70 = arith.constant 0 : i32
      %dma_wait3A_71 = arith.constant 0 : i32
      %dma_wait3A_72 = tpu.memref_slice %arg7[%dma_wait3A_70, %dma_wait3A_71] : memref<10000x128xf32, #tpu.memory_space<vmem_shared>> -> memref<10000x128xf32, #tpu.memory_space<vmem_shared>>
      tpu.wait_indirect_dma semaphore(%arg16 : memref<!tpu.dma_semaphore, #tpu.memory_space<semaphore_mem>>) src(%arg10 : memref<80x128xf32, #tpu.memory_space<vmem>>) dst(%dma_wait3A_72 : memref<10000x128xf32, #tpu.memory_space<vmem_shared>>)
      %add3A_73 = arith.constant 3 : i32
      %add3A_74 = arith.addi %add3A_54, %add3A_73 : i32
      %lt3A = arith.constant 125 : i32
      %lt3A_75 = arith.cmpi slt, %add3A_74, %lt3A : i32
      %convert_element_type3A = arith.extui %lt3A_75 : i1 to i32
      %cond3A = arith.constant 0 : i32
      %cond3A_76 = arith.cmpi ne, %convert_element_type3A, %cond3A : i32
      scf.if %cond3A_76 {
        %add3A_135 = arith.constant 3 : i32
        %add3A_136 = arith.addi %add3A_54, %add3A_135 : i32
        %dma_start3A_137 = arith.constant 0 : i32
        %dma_start3A_138 = tpu.memref_slice %arg8[%add3A_136, %dma_start3A_137] : memref<125x80xi32, #tpu.memory_space<vmem>> -> memref<1x80xi32, #tpu.memory_space<vmem>>
        %dma_start3A_139 = tpu.memref_squeeze %dma_start3A_138 : memref<1x80xi32, #tpu.memory_space<vmem>> -> memref<80xi32, #tpu.memory_space<vmem>>
        %dma_start3A_140 = arith.constant 0 : i32
        %dma_start3A_141 = arith.constant 0 : i32
        %dma_start3A_142 = tpu.memref_slice %arg2[%dma_start3A_140, %dma_start3A_141] : memref<10000x128xf32, #tpu.memory_space<hbm>> -> memref<10000x128xf32, #tpu.memory_space<hbm>>
        tpu.enqueue_indirect_dma source(%dma_start3A_142 : memref<10000x128xf32, #tpu.memory_space<hbm>>) target(%arg10 : memref<80x128xf32, #tpu.memory_space<vmem>>) offsets(%dma_start3A_139 : memref<80xi32, #tpu.memory_space<vmem>>) semaphore(%arg13 : memref<!tpu.dma_semaphore, #tpu.memory_space<semaphore_mem>>)
      } else {
      }
      %mul3A_77 = arith.constant 3 : i32
      %mul3A_78 = arith.muli %scan3A_50, %mul3A_77 : i32
      %add3A_79 = arith.constant 1 : i32
      %add3A_80 = arith.addi %mul3A_78, %add3A_79 : i32
      %dma_wait3A_81 = arith.constant 0 : i32
      %dma_wait3A_82 = tpu.memref_slice %arg8[%add3A_80, %dma_wait3A_81] : memref<125x80xi32, #tpu.memory_space<vmem>> -> memref<1x80xi32, #tpu.memory_space<vmem>>
      %dma_wait3A_83 = tpu.memref_squeeze %dma_wait3A_82 : memref<1x80xi32, #tpu.memory_space<vmem>> -> memref<80xi32, #tpu.memory_space<vmem>>
      %dma_wait3A_84 = arith.constant 0 : i32
      %dma_wait3A_85 = arith.constant 0 : i32
      %dma_wait3A_86 = tpu.memref_slice %arg2[%dma_wait3A_84, %dma_wait3A_85] : memref<10000x128xf32, #tpu.memory_space<hbm>> -> memref<10000x128xf32, #tpu.memory_space<hbm>>
      tpu.wait_indirect_dma semaphore(%arg14 : memref<!tpu.dma_semaphore, #tpu.memory_space<semaphore_mem>>) src(%dma_wait3A_86 : memref<10000x128xf32, #tpu.memory_space<hbm>>) dst(%arg11 : memref<80x128xf32, #tpu.memory_space<vmem>>)
      %dma_start3A_87 = arith.constant 0 : i32
      %dma_start3A_88 = tpu.memref_slice %arg9[%add3A_80, %dma_start3A_87] : memref<125x80xi32, #tpu.memory_space<vmem>> -> memref<1x80xi32, #tpu.memory_space<vmem>>
      %dma_start3A_89 = tpu.memref_squeeze %dma_start3A_88 : memref<1x80xi32, #tpu.memory_space<vmem>> -> memref<80xi32, #tpu.memory_space<vmem>>
      %dma_start3A_90 = arith.constant 0 : i32
      %dma_start3A_91 = arith.constant 0 : i32
      %dma_start3A_92 = tpu.memref_slice %arg7[%dma_start3A_90, %dma_start3A_91] : memref<10000x128xf32, #tpu.memory_space<vmem_shared>> -> memref<10000x128xf32, #tpu.memory_space<vmem_shared>>
      tpu.enqueue_indirect_dma source(%arg11 : memref<80x128xf32, #tpu.memory_space<vmem>>) target(%dma_start3A_92 : memref<10000x128xf32, #tpu.memory_space<vmem_shared>>) offsets(%dma_start3A_89 : memref<80xi32, #tpu.memory_space<vmem>>) semaphore(%arg17 : memref<!tpu.dma_semaphore, #tpu.memory_space<semaphore_mem>>) {add = true}
      %dma_wait3A_93 = arith.constant 0 : i32
      %dma_wait3A_94 = tpu.memref_slice %arg9[%add3A_80, %dma_wait3A_93] : memref<125x80xi32, #tpu.memory_space<vmem>> -> memref<1x80xi32, #tpu.memory_space<vmem>>
      %dma_wait3A_95 = tpu.memref_squeeze %dma_wait3A_94 : memref<1x80xi32, #tpu.memory_space<vmem>> -> memref<80xi32, #tpu.memory_space<vmem>>
      %dma_wait3A_96 = arith.constant 0 : i32
      %dma_wait3A_97 = arith.constant 0 : i32
      %dma_wait3A_98 = tpu.memref_slice %arg7[%dma_wait3A_96, %dma_wait3A_97] : memref<10000x128xf32, #tpu.memory_space<vmem_shared>> -> memref<10000x128xf32, #tpu.memory_space<vmem_shared>>
      tpu.wait_indirect_dma semaphore(%arg17 : memref<!tpu.dma_semaphore, #tpu.memory_space<semaphore_mem>>) src(%arg11 : memref<80x128xf32, #tpu.memory_space<vmem>>) dst(%dma_wait3A_98 : memref<10000x128xf32, #tpu.memory_space<vmem_shared>>)
      %add3A_99 = arith.constant 3 : i32
      %add3A_100 = arith.addi %add3A_80, %add3A_99 : i32
      %lt3A_101 = arith.constant 125 : i32
      %lt3A_102 = arith.cmpi slt, %add3A_100, %lt3A_101 : i32
      %convert_element_type3A_103 = arith.extui %lt3A_102 : i1 to i32
      %cond3A_104 = arith.constant 0 : i32
      %cond3A_105 = arith.cmpi ne, %convert_element_type3A_103, %cond3A_104 : i32
      scf.if %cond3A_105 {
        %add3A_135 = arith.constant 3 : i32
        %add3A_136 = arith.addi %add3A_80, %add3A_135 : i32
        %dma_start3A_137 = arith.constant 0 : i32
        %dma_start3A_138 = tpu.memref_slice %arg8[%add3A_136, %dma_start3A_137] : memref<125x80xi32, #tpu.memory_space<vmem>> -> memref<1x80xi32, #tpu.memory_space<vmem>>
        %dma_start3A_139 = tpu.memref_squeeze %dma_start3A_138 : memref<1x80xi32, #tpu.memory_space<vmem>> -> memref<80xi32, #tpu.memory_space<vmem>>
        %dma_start3A_140 = arith.constant 0 : i32
        %dma_start3A_141 = arith.constant 0 : i32
        %dma_start3A_142 = tpu.memref_slice %arg2[%dma_start3A_140, %dma_start3A_141] : memref<10000x128xf32, #tpu.memory_space<hbm>> -> memref<10000x128xf32, #tpu.memory_space<hbm>>
        tpu.enqueue_indirect_dma source(%dma_start3A_142 : memref<10000x128xf32, #tpu.memory_space<hbm>>) target(%arg11 : memref<80x128xf32, #tpu.memory_space<vmem>>) offsets(%dma_start3A_139 : memref<80xi32, #tpu.memory_space<vmem>>) semaphore(%arg14 : memref<!tpu.dma_semaphore, #tpu.memory_space<semaphore_mem>>)
      } else {
      }
      %mul3A_106 = arith.constant 3 : i32
      %mul3A_107 = arith.muli %scan3A_50, %mul3A_106 : i32
      %add3A_108 = arith.constant 2 : i32
      %add3A_109 = arith.addi %mul3A_107, %add3A_108 : i32
      %dma_wait3A_110 = arith.constant 0 : i32
      %dma_wait3A_111 = tpu.memref_slice %arg8[%add3A_109, %dma_wait3A_110] : memref<125x80xi32, #tpu.memory_space<vmem>> -> memref<1x80xi32, #tpu.memory_space<vmem>>
      %dma_wait3A_112 = tpu.memref_squeeze %dma_wait3A_111 : memref<1x80xi32, #tpu.memory_space<vmem>> -> memref<80xi32, #tpu.memory_space<vmem>>
      %dma_wait3A_113 = arith.constant 0 : i32
      %dma_wait3A_114 = arith.constant 0 : i32
      %dma_wait3A_115 = tpu.memref_slice %arg2[%dma_wait3A_113, %dma_wait3A_114] : memref<10000x128xf32, #tpu.memory_space<hbm>> -> memref<10000x128xf32, #tpu.memory_space<hbm>>
      tpu.wait_indirect_dma semaphore(%arg15 : memref<!tpu.dma_semaphore, #tpu.memory_space<semaphore_mem>>) src(%dma_wait3A_115 : memref<10000x128xf32, #tpu.memory_space<hbm>>) dst(%arg12 : memref<80x128xf32, #tpu.memory_space<vmem>>)
      %dma_start3A_116 = arith.constant 0 : i32
      %dma_start3A_117 = tpu.memref_slice %arg9[%add3A_109, %dma_start3A_116] : memref<125x80xi32, #tpu.memory_space<vmem>> -> memref<1x80xi32, #tpu.memory_space<vmem>>
      %dma_start3A_118 = tpu.memref_squeeze %dma_start3A_117 : memref<1x80xi32, #tpu.memory_space<vmem>> -> memref<80xi32, #tpu.memory_space<vmem>>
      %dma_start3A_119 = arith.constant 0 : i32
      %dma_start3A_120 = arith.constant 0 : i32
      %dma_start3A_121 = tpu.memref_slice %arg7[%dma_start3A_119, %dma_start3A_120] : memref<10000x128xf32, #tpu.memory_space<vmem_shared>> -> memref<10000x128xf32, #tpu.memory_space<vmem_shared>>
      tpu.enqueue_indirect_dma source(%arg12 : memref<80x128xf32, #tpu.memory_space<vmem>>) target(%dma_start3A_121 : memref<10000x128xf32, #tpu.memory_space<vmem_shared>>) offsets(%dma_start3A_118 : memref<80xi32, #tpu.memory_space<vmem>>) semaphore(%arg18 : memref<!tpu.dma_semaphore, #tpu.memory_space<semaphore_mem>>) {add = true}
      %dma_wait3A_122 = arith.constant 0 : i32
      %dma_wait3A_123 = tpu.memref_slice %arg9[%add3A_109, %dma_wait3A_122] : memref<125x80xi32, #tpu.memory_space<vmem>> -> memref<1x80xi32, #tpu.memory_space<vmem>>
      %dma_wait3A_124 = tpu.memref_squeeze %dma_wait3A_123 : memref<1x80xi32, #tpu.memory_space<vmem>> -> memref<80xi32, #tpu.memory_space<vmem>>
      %dma_wait3A_125 = arith.constant 0 : i32
      %dma_wait3A_126 = arith.constant 0 : i32
      %dma_wait3A_127 = tpu.memref_slice %arg7[%dma_wait3A_125, %dma_wait3A_126] : memref<10000x128xf32, #tpu.memory_space<vmem_shared>> -> memref<10000x128xf32, #tpu.memory_space<vmem_shared>>
      tpu.wait_indirect_dma semaphore(%arg18 : memref<!tpu.dma_semaphore, #tpu.memory_space<semaphore_mem>>) src(%arg12 : memref<80x128xf32, #tpu.memory_space<vmem>>) dst(%dma_wait3A_127 : memref<10000x128xf32, #tpu.memory_space<vmem_shared>>)
      %add3A_128 = arith.constant 3 : i32
      %add3A_129 = arith.addi %add3A_109, %add3A_128 : i32
      %lt3A_130 = arith.constant 125 : i32
      %lt3A_131 = arith.cmpi slt, %add3A_129, %lt3A_130 : i32
      %convert_element_type3A_132 = arith.extui %lt3A_131 : i1 to i32
      %cond3A_133 = arith.constant 0 : i32
      %cond3A_134 = arith.cmpi ne, %convert_element_type3A_132, %cond3A_133 : i32
      scf.if %cond3A_134 {
        %add3A_135 = arith.constant 3 : i32
        %add3A_136 = arith.addi %add3A_109, %add3A_135 : i32
        %dma_start3A_137 = arith.constant 0 : i32
        %dma_start3A_138 = tpu.memref_slice %arg8[%add3A_136, %dma_start3A_137] : memref<125x80xi32, #tpu.memory_space<vmem>> -> memref<1x80xi32, #tpu.memory_space<vmem>>
        %dma_start3A_139 = tpu.memref_squeeze %dma_start3A_138 : memref<1x80xi32, #tpu.memory_space<vmem>> -> memref<80xi32, #tpu.memory_space<vmem>>
        %dma_start3A_140 = arith.constant 0 : i32
        %dma_start3A_141 = arith.constant 0 : i32
        %dma_start3A_142 = tpu.memref_slice %arg2[%dma_start3A_140, %dma_start3A_141] : memref<10000x128xf32, #tpu.memory_space<hbm>> -> memref<10000x128xf32, #tpu.memory_space<hbm>>
        tpu.enqueue_indirect_dma source(%dma_start3A_142 : memref<10000x128xf32, #tpu.memory_space<hbm>>) target(%arg12 : memref<80x128xf32, #tpu.memory_space<vmem>>) offsets(%dma_start3A_139 : memref<80xi32, #tpu.memory_space<vmem>>) semaphore(%arg15 : memref<!tpu.dma_semaphore, #tpu.memory_space<semaphore_mem>>)
      } else {
      }
    }
    %scan3A_27 = arith.constant 41 : i32
    %dma_wait3A = arith.constant 123 : i32
    %dma_wait3A_28 = arith.constant 0 : i32
    %dma_wait3A_29 = tpu.memref_slice %arg8[%dma_wait3A, %dma_wait3A_28] : memref<125x80xi32, #tpu.memory_space<vmem>> -> memref<1x80xi32, #tpu.memory_space<vmem>>
    %dma_wait3A_30 = tpu.memref_squeeze %dma_wait3A_29 : memref<1x80xi32, #tpu.memory_space<vmem>> -> memref<80xi32, #tpu.memory_space<vmem>>
    %dma_wait3A_31 = arith.constant 0 : i32
    %dma_wait3A_32 = arith.constant 0 : i32
    %dma_wait3A_33 = tpu.memref_slice %arg2[%dma_wait3A_31, %dma_wait3A_32] : memref<10000x128xf32, #tpu.memory_space<hbm>> -> memref<10000x128xf32, #tpu.memory_space<hbm>>
    tpu.wait_indirect_dma semaphore(%arg13 : memref<!tpu.dma_semaphore, #tpu.memory_space<semaphore_mem>>) src(%dma_wait3A_33 : memref<10000x128xf32, #tpu.memory_space<hbm>>) dst(%arg10 : memref<80x128xf32, #tpu.memory_space<vmem>>)
    %run_scoped3A = arith.constant 123 : i32
    "tpu.region"() ({
      %run_scoped3A_50 = tpu.sem_alloc : memref<!tpu.dma_semaphore, #tpu.memory_space<semaphore_mem>>
      %dma_start3A_51 = arith.constant 0 : i32
      %dma_start3A_52 = tpu.memref_slice %arg9[%run_scoped3A, %dma_start3A_51] : memref<125x80xi32, #tpu.memory_space<vmem>> -> memref<1x80xi32, #tpu.memory_space<vmem>>
      %dma_start3A_53 = tpu.memref_squeeze %dma_start3A_52 : memref<1x80xi32, #tpu.memory_space<vmem>> -> memref<80xi32, #tpu.memory_space<vmem>>
      %dma_start3A_54 = arith.constant 0 : i32
      %dma_start3A_55 = arith.constant 0 : i32
      %dma_start3A_56 = tpu.memref_slice %arg7[%dma_start3A_54, %dma_start3A_55] : memref<10000x128xf32, #tpu.memory_space<vmem_shared>> -> memref<10000x128xf32, #tpu.memory_space<vmem_shared>>
      tpu.enqueue_indirect_dma source(%arg10 : memref<80x128xf32, #tpu.memory_space<vmem>>) target(%dma_start3A_56 : memref<10000x128xf32, #tpu.memory_space<vmem_shared>>) offsets(%dma_start3A_53 : memref<80xi32, #tpu.memory_space<vmem>>) semaphore(%run_scoped3A_50 : memref<!tpu.dma_semaphore, #tpu.memory_space<semaphore_mem>>) {add = true}
      %dma_wait3A_57 = arith.constant 0 : i32
      %dma_wait3A_58 = tpu.memref_slice %arg9[%run_scoped3A, %dma_wait3A_57] : memref<125x80xi32, #tpu.memory_space<vmem>> -> memref<1x80xi32, #tpu.memory_space<vmem>>
      %dma_wait3A_59 = tpu.memref_squeeze %dma_wait3A_58 : memref<1x80xi32, #tpu.memory_space<vmem>> -> memref<80xi32, #tpu.memory_space<vmem>>
      %dma_wait3A_60 = arith.constant 0 : i32
      %dma_wait3A_61 = arith.constant 0 : i32
      %dma_wait3A_62 = tpu.memref_slice %arg7[%dma_wait3A_60, %dma_wait3A_61] : memref<10000x128xf32, #tpu.memory_space<vmem_shared>> -> memref<10000x128xf32, #tpu.memory_space<vmem_shared>>
      tpu.wait_indirect_dma semaphore(%run_scoped3A_50 : memref<!tpu.dma_semaphore, #tpu.memory_space<semaphore_mem>>) src(%arg10 : memref<80x128xf32, #tpu.memory_space<vmem>>) dst(%dma_wait3A_62 : memref<10000x128xf32, #tpu.memory_space<vmem_shared>>)
      tpu.yield
    }) : () -> ()
    %dma_wait3A_34 = arith.constant 124 : i32
    %dma_wait3A_35 = arith.constant 0 : i32
    %dma_wait3A_36 = tpu.memref_slice %arg8[%dma_wait3A_34, %dma_wait3A_35] : memref<125x80xi32, #tpu.memory_space<vmem>> -> memref<1x80xi32, #tpu.memory_space<vmem>>
    %dma_wait3A_37 = tpu.memref_squeeze %dma_wait3A_36 : memref<1x80xi32, #tpu.memory_space<vmem>> -> memref<80xi32, #tpu.memory_space<vmem>>
    %dma_wait3A_38 = arith.constant 0 : i32
    %dma_wait3A_39 = arith.constant 0 : i32
    %dma_wait3A_40 = tpu.memref_slice %arg2[%dma_wait3A_38, %dma_wait3A_39] : memref<10000x128xf32, #tpu.memory_space<hbm>> -> memref<10000x128xf32, #tpu.memory_space<hbm>>
    tpu.wait_indirect_dma semaphore(%arg14 : memref<!tpu.dma_semaphore, #tpu.memory_space<semaphore_mem>>) src(%dma_wait3A_40 : memref<10000x128xf32, #tpu.memory_space<hbm>>) dst(%arg11 : memref<80x128xf32, #tpu.memory_space<vmem>>)
    %run_scoped3A_41 = arith.constant 124 : i32
    "tpu.region"() ({
      %run_scoped3A_50 = tpu.sem_alloc : memref<!tpu.dma_semaphore, #tpu.memory_space<semaphore_mem>>
      %dma_start3A_51 = arith.constant 0 : i32
      %dma_start3A_52 = tpu.memref_slice %arg9[%run_scoped3A_41, %dma_start3A_51] : memref<125x80xi32, #tpu.memory_space<vmem>> -> memref<1x80xi32, #tpu.memory_space<vmem>>
      %dma_start3A_53 = tpu.memref_squeeze %dma_start3A_52 : memref<1x80xi32, #tpu.memory_space<vmem>> -> memref<80xi32, #tpu.memory_space<vmem>>
      %dma_start3A_54 = arith.constant 0 : i32
      %dma_start3A_55 = arith.constant 0 : i32
      %dma_start3A_56 = tpu.memref_slice %arg7[%dma_start3A_54, %dma_start3A_55] : memref<10000x128xf32, #tpu.memory_space<vmem_shared>> -> memref<10000x128xf32, #tpu.memory_space<vmem_shared>>
      tpu.enqueue_indirect_dma source(%arg11 : memref<80x128xf32, #tpu.memory_space<vmem>>) target(%dma_start3A_56 : memref<10000x128xf32, #tpu.memory_space<vmem_shared>>) offsets(%dma_start3A_53 : memref<80xi32, #tpu.memory_space<vmem>>) semaphore(%run_scoped3A_50 : memref<!tpu.dma_semaphore, #tpu.memory_space<semaphore_mem>>) {add = true}
      %dma_wait3A_57 = arith.constant 0 : i32
      %dma_wait3A_58 = tpu.memref_slice %arg9[%run_scoped3A_41, %dma_wait3A_57] : memref<125x80xi32, #tpu.memory_space<vmem>> -> memref<1x80xi32, #tpu.memory_space<vmem>>
      %dma_wait3A_59 = tpu.memref_squeeze %dma_wait3A_58 : memref<1x80xi32, #tpu.memory_space<vmem>> -> memref<80xi32, #tpu.memory_space<vmem>>
      %dma_wait3A_60 = arith.constant 0 : i32
      %dma_wait3A_61 = arith.constant 0 : i32
      %dma_wait3A_62 = tpu.memref_slice %arg7[%dma_wait3A_60, %dma_wait3A_61] : memref<10000x128xf32, #tpu.memory_space<vmem_shared>> -> memref<10000x128xf32, #tpu.memory_space<vmem_shared>>
      tpu.wait_indirect_dma semaphore(%run_scoped3A_50 : memref<!tpu.dma_semaphore, #tpu.memory_space<semaphore_mem>>) src(%arg11 : memref<80x128xf32, #tpu.memory_space<vmem>>) dst(%dma_wait3A_62 : memref<10000x128xf32, #tpu.memory_space<vmem_shared>>)
      tpu.yield
    }) : () -> ()
    %barrier3A_42 = arith.constant 0 : index
    tpu.barrier barrier_id(%barrier3A_42)
    %mul3A_43 = arith.constant 625 : i32
    %mul3A_44 = arith.muli %arg1, %mul3A_43 : i32
    %mul3A_45 = arith.constant 10000 : i32
    %mul3A_46 = arith.muli %arg0, %mul3A_45 : i32
    %mul3A_47 = arith.constant 625 : i32
    %mul3A_48 = arith.muli %arg1, %mul3A_47 : i32
    %add3A_49 = arith.addi %mul3A_46, %mul3A_48 : i32
    "tpu.region"() ({
      %run_scoped3A_50 = tpu.sem_alloc : memref<!tpu.dma_semaphore, #tpu.memory_space<semaphore_mem>>
      %dma_start3A_51 = arith.constant 0 : i32
      %dma_start3A_52 = tpu.memref_slice %arg6[%add3A_49, %dma_start3A_51] : memref<20000x128xf32, #tpu.memory_space<hbm>> -> memref<625x128xf32, #tpu.memory_space<hbm>>
      %dma_start3A_53 = arith.constant 0 : i32
      %dma_start3A_54 = tpu.memref_slice %arg7[%mul3A_44, %dma_start3A_53] : memref<10000x128xf32, #tpu.memory_space<vmem_shared>> -> memref<625x128xf32, #tpu.memory_space<vmem_shared>>
      tpu.enqueue_dma source(%dma_start3A_54 : memref<625x128xf32, #tpu.memory_space<vmem_shared>>) target(%dma_start3A_52 : memref<625x128xf32, #tpu.memory_space<hbm>>) target_semaphore(%run_scoped3A_50 : memref<!tpu.dma_semaphore, #tpu.memory_space<semaphore_mem>>)
      %dma_wait3A_55 = arith.constant 0 : i32
      %dma_wait3A_56 = tpu.memref_slice %arg6[%add3A_49, %dma_wait3A_55] : memref<20000x128xf32, #tpu.memory_space<hbm>> -> memref<625x128xf32, #tpu.memory_space<hbm>>
      %dma_wait3A_57 = arith.constant 0 : i32
      %dma_wait3A_58 = tpu.memref_slice %arg7[%mul3A_44, %dma_wait3A_57] : memref<10000x128xf32, #tpu.memory_space<vmem_shared>> -> memref<625x128xf32, #tpu.memory_space<vmem_shared>>
      tpu.wait_dma2 semaphore(%run_scoped3A_50 : memref<!tpu.dma_semaphore, #tpu.memory_space<semaphore_mem>>) src(%dma_wait3A_58 : memref<625x128xf32, #tpu.memory_space<vmem_shared>>) dst(%dma_wait3A_56 : memref<625x128xf32, #tpu.memory_space<hbm>>)
      tpu.yield
    }) : () -> ()
    return
  }
}

module attributes {stable_mosaic.version = 14 : i64} {
  func.func @_exp_body(%arg0: i32, %arg1: memref<1000x128xf32, #tpu.memory_space<vmem>>, %arg2: memref<1000x128xf32, #tpu.memory_space<vmem>>) attributes {dimension_semantics = [#tpu.dimension_semantics<arbitrary>], iteration_bounds = array<i64: 10>, scalar_prefetch = 0 : i64, scratch_operands = 0 : i64, tpu.core_type = #tpu.core_type<tc>, window_params = [{transform_indices = @transform_0, window_bounds = array<i64: 1000, 128>}, {transform_indices = @transform_1, window_bounds = array<i64: 1000, 128>}]} {
    %get3A = arith.constant 0 : index
    %get3A_0 = arith.constant 0 : index
    %get3A_1 = vector.load %arg1[%get3A, %get3A_0] : memref<1000x128xf32, #tpu.memory_space<vmem>>, vector<1000x128xf32>
    %mul3A = arith.constant 1.000000e+00 : f32
    %mul3A_2 = vector.broadcast %mul3A : f32 to vector<1000x128xf32>
    %mul3A_3 = arith.mulf %get3A_1, %mul3A_2 : vector<1000x128xf32>
    %exp3A = math.exp %mul3A_3 : vector<1000x128xf32>
    %swap3A = arith.constant 0 : index
    %swap3A_4 = arith.constant 0 : index
    %swap3A_5 = vector.load %arg2[%swap3A, %swap3A_4] : memref<1000x128xf32, #tpu.memory_space<vmem>>, vector<1000x128xf32>
    tpu.vector_store %arg2[%swap3A, %swap3A_4], %exp3A {strides = array<i32>} : memref<1000x128xf32, #tpu.memory_space<vmem>>, vector<1000x128xf32>,
    return
  }
  func.func @transform_0(%arg0: i32) -> (i32, i32) {
    %c0_i32 = arith.constant 0 : i32
    %c0_i32_0 = arith.constant 0 : i32
    return %arg0, %c0_i32 : i32, i32
  }
  func.func @transform_1(%arg0: i32) -> (i32, i32) {
    %c0_i32 = arith.constant 0 : i32
    %c0_i32_0 = arith.constant 0 : i32
    return %arg0, %c0_i32 : i32, i32
  }
}

module attributes {stable_mosaic.version = 14 : i64} {
  func.func @_xw_body(%arg0: i32, %arg1: memref<1000x128xf32, #tpu.memory_space<vmem>>, %arg2: memref<128x128xf32, #tpu.memory_space<vmem>>, %arg3: memref<1x128xf32, #tpu.memory_space<vmem>>, %arg4: memref<1000x128xf32, #tpu.memory_space<vmem>>) attributes {dimension_semantics = [#tpu.dimension_semantics<arbitrary>], iteration_bounds = array<i64: 10>, scalar_prefetch = 0 : i64, scratch_operands = 0 : i64, tpu.core_type = #tpu.core_type<tc>, window_params = [{transform_indices = @transform_0, window_bounds = array<i64: 1000, 128>}, {pipeline_mode = #tpu.pipeline_mode<synchronous>, transform_indices = @transform_1, window_bounds = array<i64: 128, 128>}, {pipeline_mode = #tpu.pipeline_mode<synchronous>, transform_indices = @transform_2, window_bounds = array<i64: 1, 128>}, {transform_indices = @transform_3, window_bounds = array<i64: 1000, 128>}]} {
    %get3A = arith.constant 0 : index
    %get3A_0 = arith.constant 0 : index
    %get3A_1 = vector.load %arg1[%get3A, %get3A_0] : memref<1000x128xf32, #tpu.memory_space<vmem>>, vector<1000x128xf32>
    %get3A_2 = arith.constant 0 : index
    %get3A_3 = arith.constant 0 : index
    %get3A_4 = vector.load %arg2[%get3A_2, %get3A_3] : memref<128x128xf32, #tpu.memory_space<vmem>>, vector<128x128xf32>
    %dot_general3A = arith.constant dense<0.000000e+00> : vector<1000x128xf32>
    %dot_general3A_5 = tpu.matmul %get3A_1, %get3A_4, %dot_general3A {dimension_numbers = #tpu.dot_dimension_numbers<[1], [0], [0], [1], [0, 0, 1, 1], [], []>, transpose_lhs_hint = false} : vector<1000x128xf32>, vector<128x128xf32>, vector<1000x128xf32> -> vector<1000x128xf32>
    %get3A_6 = arith.constant 0 : index
    %get3A_7 = arith.constant 0 : index
    %get3A_8 = vector.load %arg3[%get3A_6, %get3A_7] : memref<1x128xf32, #tpu.memory_space<vmem>>, vector<1x128xf32>
    %add3A = vector.broadcast %get3A_8 : vector<1x128xf32> to vector<1000x128xf32>
    %add3A_9 = arith.addf %dot_general3A_5, %add3A : vector<1000x128xf32>
    %swap3A = arith.constant 0 : index
    %swap3A_10 = arith.constant 0 : index
    %swap3A_11 = vector.load %arg4[%swap3A, %swap3A_10] : memref<1000x128xf32, #tpu.memory_space<vmem>>, vector<1000x128xf32>
    tpu.vector_store %arg4[%swap3A, %swap3A_10], %add3A_9 {strides = array<i32>} : memref<1000x128xf32, #tpu.memory_space<vmem>>, vector<1000x128xf32>,
    return
  }
  func.func @transform_0(%arg0: i32) -> (i32, i32) {
    %c0_i32 = arith.constant 0 : i32
    %c0_i32_0 = arith.constant 0 : i32
    return %arg0, %c0_i32 : i32, i32
  }
  func.func @transform_1(%arg0: i32) -> (i32, i32) {
    %c0_i32 = arith.constant 0 : i32
    %c0_i32_0 = arith.constant 0 : i32
    %c0_i32_1 = arith.constant 0 : i32
    return %c0_i32, %c0_i32_0 : i32, i32
  }
  func.func @transform_2(%arg0: i32) -> (i32, i32) {
    %c0_i32 = arith.constant 0 : i32
    %c0_i32_0 = arith.constant 0 : i32
    %c0_i32_1 = arith.constant 0 : i32
    return %c0_i32, %c0_i32_0 : i32, i32
  }
  func.func @transform_3(%arg0: i32) -> (i32, i32) {
    %c0_i32 = arith.constant 0 : i32
    %c0_i32_0 = arith.constant 0 : i32
    return %arg0, %c0_i32 : i32, i32
  }
}

module attributes {stable_mosaic.version = 14 : i64} {
  func.func @_fin_body(%arg0: i32, %arg1: memref<1000x128xf32, #tpu.memory_space<vmem>>, %arg2: memref<1000x128xf32, #tpu.memory_space<vmem>>, %arg3: memref<1000x128xf32, #tpu.memory_space<vmem>>, %arg4: memref<128x128xf32, #tpu.memory_space<vmem>>, %arg5: memref<1x128xf32, #tpu.memory_space<vmem>>, %arg6: memref<1x128xf32, #tpu.memory_space<vmem>>, %arg7: memref<1000x128xf32, #tpu.memory_space<vmem>>) attributes {dimension_semantics = [#tpu.dimension_semantics<arbitrary>], iteration_bounds = array<i64: 10>, scalar_prefetch = 0 : i64, scratch_operands = 0 : i64, tpu.core_type = #tpu.core_type<tc>, window_params = [{transform_indices = @transform_0, window_bounds = array<i64: 1000, 128>}, {transform_indices = @transform_1, window_bounds = array<i64: 1000, 128>}, {transform_indices = @transform_2, window_bounds = array<i64: 1000, 128>}, {pipeline_mode = #tpu.pipeline_mode<synchronous>, transform_indices = @transform_3, window_bounds = array<i64: 128, 128>}, {pipeline_mode = #tpu.pipeline_mode<synchronous>, transform_indices = @transform_4, window_bounds = array<i64: 1, 128>}, {pipeline_mode = #tpu.pipeline_mode<synchronous>, transform_indices = @transform_5, window_bounds = array<i64: 1, 128>}, {transform_indices = @transform_6, window_bounds = array<i64: 1000, 128>}]} {
    %get3A = arith.constant 0 : index
    %get3A_0 = arith.constant 0 : index
    %get3A_1 = vector.load %arg2[%get3A, %get3A_0] : memref<1000x128xf32, #tpu.memory_space<vmem>>, vector<1000x128xf32>
    %get3A_2 = arith.constant 0 : index
    %get3A_3 = arith.constant 0 : index
    %get3A_4 = vector.load %arg3[%get3A_2, %get3A_3] : memref<1000x128xf32, #tpu.memory_space<vmem>>, vector<1000x128xf32>
    %add3A = arith.addf %get3A_1, %get3A_4 : vector<1000x128xf32>
    %gt3A = arith.constant 0.000000e+00 : f32
    %gt3A_5 = vector.broadcast %gt3A : f32 to vector<1000x128xf32>
    %gt3A_6 = arith.cmpf ogt, %add3A, %gt3A_5 : vector<1000x128xf32>
    %max3A = arith.constant 1.000000e-30 : f32
    %max3A_7 = vector.broadcast %max3A : f32 to vector<1000x128xf32>
    %max3A_8 = arith.maximumf %add3A, %max3A_7 : vector<1000x128xf32>
    %log3A = math.log %max3A_8 : vector<1000x128xf32>
    %mul3A = arith.constant 1.000000e+00 : f32
    %mul3A_9 = vector.broadcast %mul3A : f32 to vector<1000x128xf32>
    %mul3A_10 = arith.mulf %mul3A_9, %log3A : vector<1000x128xf32>
    %jit3A = arith.constant 0.000000e+00 : f32
    %broadcast_in_dim3A = vector.broadcast %jit3A : f32 to vector<1000x128xf32>
    %select_n3A = arith.select %gt3A_6, %mul3A_10, %broadcast_in_dim3A : vector<1000x128xi1>, vector<1000x128xf32>
    %get3A_11 = arith.constant 0 : index
    %get3A_12 = arith.constant 0 : index
    %get3A_13 = vector.load %arg1[%get3A_11, %get3A_12] : memref<1000x128xf32, #tpu.memory_space<vmem>>, vector<1000x128xf32>
    %get3A_14 = arith.constant 0 : index
    %get3A_15 = arith.constant 0 : index
    %get3A_16 = vector.load %arg4[%get3A_14, %get3A_15] : memref<128x128xf32, #tpu.memory_space<vmem>>, vector<128x128xf32>
    %dot_general3A = arith.constant dense<0.000000e+00> : vector<1000x128xf32>
    %dot_general3A_17 = tpu.matmul %select_n3A, %get3A_16, %dot_general3A {dimension_numbers = #tpu.dot_dimension_numbers<[1], [0], [0], [1], [0, 0, 1, 1], [], []>, transpose_lhs_hint = false} : vector<1000x128xf32>, vector<128x128xf32>, vector<1000x128xf32> -> vector<1000x128xf32>
    %add3A_18 = arith.addf %get3A_13, %dot_general3A_17 : vector<1000x128xf32>
    %reduce_sum3A = arith.constant dense<0.000000e+00> : vector<1000xf32>
    %reduce_sum3A_19 = vector.multi_reduction <add>, %add3A_18, %reduce_sum3A [1] : vector<1000x128xf32> to vector<1000xf32>
    %broadcast_in_dim3A_20 = vector.shape_cast %reduce_sum3A_19 : vector<1000xf32> to vector<1000x1xf32>
    %div3A = arith.constant 1.280000e+02 : f32
    %div3A_21 = vector.broadcast %div3A : f32 to vector<1000x1xf32>
    %div3A_22 = arith.divf %broadcast_in_dim3A_20, %div3A_21 : vector<1000x1xf32>
    %sub3A = vector.broadcast %div3A_22 : vector<1000x1xf32> to vector<1000x128xf32>
    %sub3A_23 = arith.subf %add3A_18, %sub3A : vector<1000x128xf32>
    %mul3A_24 = arith.mulf %sub3A_23, %sub3A_23 : vector<1000x128xf32>
    %reduce_sum3A_25 = arith.constant dense<0.000000e+00> : vector<1000xf32>
    %reduce_sum3A_26 = vector.multi_reduction <add>, %mul3A_24, %reduce_sum3A_25 [1] : vector<1000x128xf32> to vector<1000xf32>
    %broadcast_in_dim3A_27 = vector.shape_cast %reduce_sum3A_26 : vector<1000xf32> to vector<1000x1xf32>
    %div3A_28 = arith.constant 1.280000e+02 : f32
    %div3A_29 = vector.broadcast %div3A_28 : f32 to vector<1000x1xf32>
    %div3A_30 = arith.divf %broadcast_in_dim3A_27, %div3A_29 : vector<1000x1xf32>
    %add3A_31 = arith.constant 9.99999974E-6 : f32
    %add3A_32 = vector.broadcast %add3A_31 : f32 to vector<1000x1xf32>
    %add3A_33 = arith.addf %div3A_30, %add3A_32 : vector<1000x1xf32>
    %rsqrt3A = math.rsqrt %add3A_33 : vector<1000x1xf32>
    %mul3A_34 = vector.broadcast %rsqrt3A : vector<1000x1xf32> to vector<1000x128xf32>
    %mul3A_35 = arith.mulf %sub3A_23, %mul3A_34 : vector<1000x128xf32>
    %get3A_36 = arith.constant 0 : index
    %get3A_37 = arith.constant 0 : index
    %get3A_38 = vector.load %arg5[%get3A_36, %get3A_37] : memref<1x128xf32, #tpu.memory_space<vmem>>, vector<1x128xf32>
    %mul3A_39 = vector.broadcast %get3A_38 : vector<1x128xf32> to vector<1000x128xf32>
    %mul3A_40 = arith.mulf %mul3A_35, %mul3A_39 : vector<1000x128xf32>
    %get3A_41 = arith.constant 0 : index
    %get3A_42 = arith.constant 0 : index
    %get3A_43 = vector.load %arg6[%get3A_41, %get3A_42] : memref<1x128xf32, #tpu.memory_space<vmem>>, vector<1x128xf32>
    %add3A_44 = vector.broadcast %get3A_43 : vector<1x128xf32> to vector<1000x128xf32>
    %add3A_45 = arith.addf %mul3A_40, %add3A_44 : vector<1000x128xf32>
    %max3A_46 = arith.constant 0.000000e+00 : f32
    %max3A_47 = vector.broadcast %max3A_46 : f32 to vector<1000x128xf32>
    %max3A_48 = arith.maximumf %add3A_45, %max3A_47 : vector<1000x128xf32>
    %swap3A = arith.constant 0 : index
    %swap3A_49 = arith.constant 0 : index
    %swap3A_50 = vector.load %arg7[%swap3A, %swap3A_49] : memref<1000x128xf32, #tpu.memory_space<vmem>>, vector<1000x128xf32>
    tpu.vector_store %arg7[%swap3A, %swap3A_49], %max3A_48 {strides = array<i32>} : memref<1000x128xf32, #tpu.memory_space<vmem>>, vector<1000x128xf32>,
    return
  }
  func.func @transform_0(%arg0: i32) -> (i32, i32) {
    %c0_i32 = arith.constant 0 : i32
    %c0_i32_0 = arith.constant 0 : i32
    return %arg0, %c0_i32 : i32, i32
  }
  func.func @transform_1(%arg0: i32) -> (i32, i32) {
    %c0_i32 = arith.constant 0 : i32
    %c0_i32_0 = arith.constant 0 : i32
    return %arg0, %c0_i32 : i32, i32
  }
  func.func @transform_2(%arg0: i32) -> (i32, i32) {
    %add3A = arith.constant 10 : i32
    %add3A_0 = arith.addi %arg0, %add3A : i32
    %c0_i32 = arith.constant 0 : i32
    %c0_i32_1 = arith.constant 0 : i32
    return %add3A_0, %c0_i32 : i32, i32
  }
  func.func @transform_3(%arg0: i32) -> (i32, i32) {
    %c0_i32 = arith.constant 0 : i32
    %c0_i32_0 = arith.constant 0 : i32
    %c0_i32_1 = arith.constant 0 : i32
    return %c0_i32, %c0_i32_0 : i32, i32
  }
  func.func @transform_4(%arg0: i32) -> (i32, i32) {
    %c0_i32 = arith.constant 0 : i32
    %c0_i32_0 = arith.constant 0 : i32
    %c0_i32_1 = arith.constant 0 : i32
    return %c0_i32, %c0_i32_0 : i32, i32
  }
  func.func @transform_5(%arg0: i32) -> (i32, i32) {
    %c0_i32 = arith.constant 0 : i32
    %c0_i32_0 = arith.constant 0 : i32
    %c0_i32_1 = arith.constant 0 : i32
    return %c0_i32, %c0_i32_0 : i32, i32
  }
  func.func @transform_6(%arg0: i32) -> (i32, i32) {
    %c0_i32 = arith.constant 0 : i32
    %c0_i32_0 = arith.constant 0 : i32
    return %arg0, %c0_i32 : i32, i32
  }
}

</mosaic_0001>

<sc_bundles>
// kernel: kernel.6.cloned.1.call-start
scs
__scs_entry_jumppad:
0x0: {  	(pc) =	sbr.rel $0x88, $3  }
0x1: {  	(tag) =	ssettag $0x0;
	lr =	simm.s32 $0x1  }
0x2: {  	[smem:$0x3F9A] =	sst lr;
	_ =	strace $0xD0000000  }
0x3: {  	_ = 	snop  }
0x4: {  	_ = 	snop  }
0x5: {  	_ = 	snop  }
0x6: {  	_ = 	snop  }
0x7: {  	_ = 	snop  }
__scs_overlays_trampoline_lowered:
0x8: {  	[smem:$0x3FA9] =	sst s0  }
0x9: {  	[smem:$0x3FAA] =	sst s1  }
0xa: {  	[smem:$0x3FAB] =	sst s2  }
0xb: {  	[smem:$0x3FAC] =	sst s3  }
0xc: {  	[smem:$0x3FAD] =	sst s4  }
0xd: {  	[smem:$0x3FAE] =	sst s5  }
0xe: {  	[smem:$0x3FAF] =	sst s6  }
0xf: {  	[smem:$0x3FB0] =	sst s7  }
0x10: {  	[smem:$0x3FB1] =	sst s8  }
0x11: {  	[smem:$0x3FB2] =	sst s9;
	s0 =	simm.s32 @!p0 $0x0  }
0x12: {  	s1 =	sld [smem:$0x3F98];
	s0 =	simm.s32 @p0 $0x1  }
0x13: {  	[smem:$0x3FB3] =	sst s0;
	s0 =	simm.s32 @!p1 $0x0  }
0x14: {  	s2 =	sld [smem:$0x3F97];
	s0 =	simm.s32 @p1 $0x1  }
0x15: {  	[smem:$0x3FB4] =	sst s0;
	s0 =	simm.s32 @!p2 $0x0  }
0x16: {  	s3 =	sld [smem:$0x3FDB];
	s0 =	simm.s32 @p2 $0x1  }
0x17: {  	s4 =	simm.s32 $0x1BF5;
	[smem:$0x3FB6] =	sst s0  }
0x18: {  	s0 =	sld [smem:$0x3F99];
	_ =	swait.ge [sflag:s4], $0x0  }
0x19: {  	s7 =	sld [smem:$0x3F9A]  }
0x1a: {  	s8 =	sadd.s32 $0xFFFFE003, lr  }
0x1b: {  	s9 =	sadd.s32 $0xFFFFFEF7, lr;
	s5 =	simm.s32 $0xFFFFFFFF;
	p2 =	slt.u32 s8, $0xFFFFF086  }
0x1c: {  	p1 =	slt.u32 s9, $0xF7A;
	s5 =	simm.s32 @!p2 $0x0  }
0x1d: {  	s5 =	simm.s32 @p1 $0x1;
	p0 =	seq.s32 s7, s2  }
0x1e: {  	s7 =	smul.u32 @!p0 $0xF7A, s2;
	p2 =	seq.s32 @!p0 s5, $0x0  }
0x1f: {  	s9 =	smul.u32 $0xF7A, s1;
	s8 =	simm.s32 @!p0 $0x1BF5;
	p2 =	por !p2, p0  }
0x20: {  	[sflag:s8] =	ssyncset.s32 @!p0 $0xFFFFF086;
	s6 =	sadd.s32 @!p0 s3, s7;
	s7 =	simm.s32 @!p0 $0x108  }
0x21: {  	s3 =	sadd.s32 s3, s9;
	s6 =	sadd.s32 @!p0 $0x88, s6;
	s7 =	simm.s32 @p2 $0x1082  }
0x22: {  	[simem:s7], [sflag:s8] =	dma.local @!p0 [hbm:s6], $0xF7A  }
0x23: {  	s9 =	sor.u32 $0xD0000000, s2;
	s6 =	simm.s32 $0x108;
	_ =	swait.ge @!p0 [sflag:s8], $0x0  }
0x24: {  	s3 =	sadd.s32 $0x88, s3;
	s6 =	simm.s32 @!p1 $0x1082;
	[sflag:s4] =	ssyncset.s32 $0xFFFFF086  }
0x25: {  	[simem:s6], [sflag:s4] =	dma.local [hbm:s3], $0xF7A  }
0x26: {  	[smem:$0x3F9A] =	sst s1;
	(tag) =	ssettag s2;
	_ =	strace s9  }
0x27: {  	s1 =	sld [smem:$0x3FAA]  }
0x28: {  	s2 =	sld [smem:$0x3FAB]  }
0x29: {  	s4 =	sld [smem:$0x3FAD]  }
0x2a: {  	p0 =	seq.s32 s5, $0x0;
	s5 =	sld [smem:$0x3FAE]  }
0x2b: {  	s6 =	sld [smem:$0x3FAF]  }
0x2c: {  	s7 =	sld [smem:$0x3FB0]  }
0x2d: {  	s3 =	simm.s32 $0x108;
	s8 =	sld [smem:$0x3FB1]  }
0x2e: {  	s3 =	simm.s32 @!p0 $0x1082;
	s9 =	sld [smem:$0x3FB2]  }
0x2f: {  	lr =	sadd.s32 s0, s3;
	s0 =	sld [smem:$0x3FA9]  }
0x30: {  	s3 =	sld [smem:$0x3FAC]  }
0x31: {  	[smem:$0x3FB5] =	sst s10  }
0x32: {  	s10 =	sld [smem:$0x3FB3];
	_ =	sdelay $0x3  }
0x33: {  	p0 =	seq.s32 s10, $0x1;
	s10 =	sld [smem:$0x3FB5];
	_ =	sdelay $0x3  }
0x34: {  	[smem:$0x3FB5] =	sst s10  }
0x35: {  	s10 =	sld [smem:$0x3FB4];
	_ =	sdelay $0x3  }
0x36: {  	p1 =	seq.s32 s10, $0x1;
	s10 =	sld [smem:$0x3FB5];
	_ =	sdelay $0x3  }
0x37: {  	[smem:$0x3FB5] =	sst s10  }
0x38: {  	s10 =	sld [smem:$0x3FB6]  }
0x39: {  	_ = 	snop;
	(pc) =	sbr.ind lr, $3  }
0x3a: {  	_ = 	snop  }
0x3b: {  	_ = 	snop  }
0x3c: {  	p2 =	seq.s32 s10, $0x1;
	s10 =	sld [smem:$0x3FB5]  }
0x3d: {  	_ =	shalt  }
0x3e: {  	_ =	shalt  }
0x3f: {  	_ =	shalt  }
0x40: {  	_ =	shalt  }
0x41: {  	_ =	shalt  }
0x42: {  	_ =	shalt  }
0x43: {  	_ =	shalt  }
0x44: {  	_ =	shalt  }
0x45: {  	_ =	shalt  }
0x46: {  	_ =	shalt  }
0x47: {  	_ =	shalt  }
0x48: {  	_ =	shalt  }
0x49: {  	_ =	shalt  }
0x4a: {  	_ =	shalt  }
0x4b: {  	_ =	shalt  }
0x4c: {  	_ =	shalt  }
0x4d: {  	_ =	shalt  }
0x4e: {  	_ =	shalt  }
0x4f: {  	_ =	shalt  }
0x50: {  	_ =	shalt  }
0x51: {  	_ =	shalt  }
0x52: {  	_ =	shalt  }
0x53: {  	_ =	shalt  }
0x54: {  	_ =	shalt  }
0x55: {  	_ =	shalt  }
0x56: {  	_ =	shalt  }
0x57: {  	_ =	shalt  }
0x58: {  	_ =	shalt  }
0x59: {  	_ =	shalt  }
0x5a: {  	_ =	shalt  }
0x5b: {  	_ =	shalt  }
0x5c: {  	_ =	shalt  }
0x5d: {  	_ =	shalt  }
0x5e: {  	_ =	shalt  }
0x5f: {  	_ =	shalt  }
0x60: {  	_ =	shalt  }
0x61: {  	_ =	shalt  }
0x62: {  	_ =	shalt  }
0x63: {  	_ =	shalt  }
0x64: {  	_ =	shalt  }
0x65: {  	_ =	shalt  }
0x66: {  	_ =	shalt  }
0x67: {  	_ =	shalt  }
0x68: {  	_ =	shalt  }
0x69: {  	_ =	shalt  }
0x6a: {  	_ =	shalt  }
0x6b: {  	_ =	shalt  }
0x6c: {  	_ =	shalt  }
0x6d: {  	_ =	shalt  }
0x6e: {  	_ =	shalt  }
0x6f: {  	_ =	shalt  }
0x70: {  	_ =	shalt  }
0x71: {  	_ =	shalt  }
0x72: {  	_ =	shalt  }
0x73: {  	_ =	shalt  }
0x74: {  	_ =	shalt  }
0x75: {  	_ =	shalt  }
0x76: {  	_ =	shalt  }
0x77: {  	_ =	shalt  }
0x78: {  	_ =	shalt  }
0x79: {  	_ =	shalt  }
0x7a: {  	_ =	shalt  }
0x7b: {  	_ =	shalt  }
0x7c: {  	_ =	shalt  }
0x7d: {  	_ =	shalt  }
0x7e: {  	_ =	shalt  }
0x7f: {  	_ =	shalt  }
0x80: {  	_ =	shalt  }
0x81: {  	_ =	shalt  }
0x82: {  	_ =	shalt  }
0x83: {  	_ =	shalt  }
0x84: {  	_ =	shalt  }
0x85: {  	_ =	shalt  }
0x86: {  	_ =	shalt  }
0x87: {  	_ =	shalt  }
.Lfunc_end0:
.L_simem_size_0:
called_computation_lowered:
.L_overlay_start_0:
0x88: {  	s2 =	sld [smem:$0x3FD9]  }
0x89: {  	s3 =	sld [smem:$0x3FFE];
	_ =	sdelay $0x1  }
0x8a: {  	s1 =	srdreg.scid  }
0x8b: {  	s0 =	sand.u32 $0x1, s1  }
0x8c: {  	s17 =	sshll.u32 s0, $0xA;
	s2 =	sadd.s32 s3, s2  }
0x8d: {  	s2 =	sadd.s32 s2, s17  }
0x8e: {  	[smem:$0x3FC1] =	sst s2  }
0x8f: {  	_ = 	snop  }
0x90: {  	s2 =	sld [smem:$0x3FC8]  }
0x91: {  	s18 =	sld [smem:$0x3FC7]  }
0x92: {  	s4 =	sld [smem:$0x3FD0];
	(tm) =	ssettm $0x1  }
0x93: {  	s5 =	sld [smem:$0x3FFB];
	_ =	sdelay $0x3  }
0x94: {  	_ =	strace s5  }
0x95: {  	s5 =	sld [smem:$0x3FFC];
	_ =	sdelay $0x3  }
0x96: {  	_ =	strace s5  }
0x97: {  	s5 =	sld [smem:$0x3FFD];
	_ =	sdelay $0x3  }
0x98: {  	_ =	strace s5  }
0x99: {  	_ =	strace $0x8FFFFFFF  }
0x9a: {  	s19 =	sld [smem:$0x3FDB];
	_ =	sdelay $0x1  }
0x9b: {  	s6 =	simm.s32 $_scs_section_size  }
0x9c: {  	s7 =	simm.s32 $_size__tile_overlayer_lowered;
	s8 =	simm.s32 $_tile_overlayer_lowered  }
0x9d: {  	s22 =	simm.s32 $0x1BFF;
	s21 =	sshll.u32 s8, $0x1;
	s5 =	sadd.s32 s6, s19  }
0x9e: {  	s9 =	simm.s32 $0x0;
	s20 =	sshll.u32 s7, $0x1;
	s7 =	sadd.s32 s21, s5  }
0x9f: {  	[timem:s9], [sflag:s22] =	dma.local [hbm:s7], s20  }
0xa0: {  	_ =	swait.ge [sflag:s22], s20  }
0xa1: {  	s6 =	ssub.s32 $0x0, s20;
	[sflag:s22] =	ssyncset.done $0x0  }
0xa2: {  	[sflag:s22] =	ssyncadd.s32 s6;
	_ =	sdelay $0x1  }
0xa3: {  	s23 =	simm.s32 $0x1B8B  }
0xa4: {  	_ =	swait.ge [sflag:s23], $0x1  }
0xa5: {  	[sflag:s23] =	ssyncset.done $0x0  }
0xa6: {  	s25 =	simm.s32 $0x1B8E;
	s24 =	sld [smem:$0x3FFE];
	[sflag:s23] =	ssyncadd.s32 $0xFFFFFFFF  }
0xa7: {  	s26 =	simm.s32 $execute0_lowered;
	[smem:$0x3FD2] =	sst s25  }
0xa8: {  	s7 =	sshll.u32 s26, $0x1;
	_ =	strace $0x80000046;
	[dreg:$0x1] =	wrdreg $0xFFFFFFFF  }
0xa9: {  	s28 =	simm.s32 $_size_execute0_lowered;
	s5 =	sadd.s32 s5, s7;
	[dreg:$0x0] =	wrdreg $0x0  }
0xaa: {  	s7 =	sshll.u32 s28, $0x1;
	[dreg:$0x2] =	wrdreg s5  }
0xab: {  	[dreg:$0x3] =	wrdreg s7  }
0xac: {  	[dreg:$0x4] =	wrdreg $0xC0  }
0xad: {  	_ =	task [dreg:s9], $0x5FFFF  }
0xae: {  	[dreg:$0x1] =	wrdreg $0xFFFFFFFF  }
0xaf: {  	[dreg:$0x0] =	wrdreg $0x60  }
0xb0: {  	[dreg:$0x2] =	wrdreg s4  }
0xb1: {  	[dreg:$0x3] =	wrdreg s2  }
0xb2: {  	[dreg:$0x4] =	wrdreg s18  }
0xb3: {  	[dreg:$0x5] =	wrdreg s24  }
0xb4: {  	[dreg:$0x6] =	wrdreg $0x0  }
0xb5: {  	[dreg:$0x7] =	wrdreg $0x9  }
0xb6: {  	_ =	task.clear_ibuf [dreg:s9], $0x8FFFF;
	_ =	strace $0x90000046  }
0xb7: {  	s29 =	simm.s32 $0x9;
	_ =	strace $0x80000048  }
0xb8: {  	_ =	swait.ge [sflag:s29], $0x1  }
0xb9: {  	[sflag:s29] =	ssyncadd.s32 $0xFFFFFFFF  }
0xba: {  	_ =	strace $0x90000048  }
0xbb: {  	_ =	sfence  }
0xbc: {  	s30 =	sld [smem:$0x0];
	_ =	sdelay $0x2  }
0xbd: {  	s31 =	sshll.u32 s1, $0xD;
	s1 =	sshrl.u32 s1, $0x2  }
0xbe: {  	s3 =	sand.u32 $0x4000, s31;
	s1 =	sadd.s32 s1, s30  }
0xbf: {  	s0 =	sor.u32 s3, s0;
	s1 =	sshll.u32 s1, $0x11  }
0xc0: {  	s0 =	sor.u32 s1, s0  }
0xc1: {  	s0 =	sadd.s32 $0x8F2B, s0  }
0xc2: {  	[sflag:s0] =	ssyncadd.remote.s32 $0x1  }
0xc3: {  	_ =	sfence.sel $0xFFFF  }
0xc4: {  	[dreg:$0x0] =	wrdreg $0xFFFFFFFF;
	(pc) =	sbr.abs _section_cstart, $3  }
0xc5: {  	[dreg:$0x1] =	wrdreg $0xFFFFFFFF  }
0xc6: {  	_ =	task.clear_ibuf [dreg:s9], $0x2FFFF;
	_ =	strace $0x9FFFFFFF  }
0xc7: {  	(tm) =	ssettm $0x7FFFFFFF  }
tec
execute0_lowered:
.L_overlay_start_1:
0x0: {  	(tag) =	ssettag $0x1  }
0x1: {  	s1 =	rddreg [dreg:$0x0]  }
0x2: {  	s0 =	rddreg [dreg:$0x1]  }
0x3: {  	s2 =	rddreg [dreg:$0x2]  }
0x4: {  	s6 =	rddreg [dreg:$0x3]  }
0x5: {  	s3 =	rddreg [dreg:$0x4]  }
0x6: {  	s5 =	srdreg.scid;
	s12 =	stileid.u32;
	s4 =	simm.s32 $0x0  }
0x7: {  	s13 =	simm.s32 $0x13880;
	s15 =	simm.s32 $0x50;
	s16 =	simm.s32 $0x186A0  }
0x8: {  	s18 =	simm.s32 $0x1AEA0;
	s20 =	simm.s32 $0x1D6A0;
	s21 =	simm.s32 $0x1  }
0x9: {  	s22 =	simm.s32 $0x4;
	s30 =	simm.s32 $0x18560;
	s31 =	simm.s32 $0x15F40  }
0xa: {  	s14 =	simm.s32 $0x18650;
	s17 =	simm.s32 $0x0;
	s7 =	sand.u32 $0x1, s5  }
0xb: {  	s8 =	smul.u32 $0x2710, s12;
	[smem:$0x7FF] =	sst s4;
	s5 =	sadd.s32 $0x1C00, s6  }
0xc: {  	s23 =	sshll.u32 s12, $0x1;
	s11 =	smul.u32 $0x4E200, s12;
	s29 =	sshll.u32 s12, $0x6  }
0xd: {  	s12 =	simm.s32 $0x7;
	s9 =	smul.u32 $0x27100, s7;
	_ =	strace $0x80000047  }
0xe: {  	s10 =	ssub.s32 $0x2, s7;
	s7 =	sor.u32 s7, s23;
	s23 =	simm.s32 $0x2  }
0xf: {  	s25 =	sshrl.u32 s10, $0x1;
	s26 =	smul.u32 $0x4E2, s7;
	s28 =	sshrl.u32 s11, $0x2  }
0x10: {  	s8 =	sadd.s32 s8, s9;
	s10 =	ssub.s32 s10, s25;
	s11 =	sadd.s32 s28, s3  }
0x11: {  	s25 =	simm.s32 $0x3;
	s24 =	sadd.s32 s8, s6;
	s6 =	sor.u32 $0x1C07, s29  }
0x12: {  	s7 =	sadd.s32 s0, s26;
	s8 =	sadd.s32 s2, s26;
	s10 =	smax.u32 s10, $0x1  }
0x13: {  	s11 =	sshrl.u32 s11, $0x3;
	s26 =	simm.s32 $0x6;
	s0 =	simm.s32 $0x185B0  }
0x14: {  	s2 =	simm.s32 $0x18600;
	s9 =	sadd.s32 $0x4400, s24;
	s24 =	simm.s32 $0x5  }
.LBB2_1:
0x15: {  	[spmem:s11], [sflag:s6] =	dma.local [hbm:s5], $0x2710  }
0x16: {  	_ =	swait.ge [sflag:s12], $0x2710  }
0x17: {  	[sflag:s12] =	ssyncset.done $0x0  }
0x18: {  	[sflag:s12] =	ssyncadd.s32 $0xFFFFD8F0  }
0x19: {  	[tilespmem:s13], [sflag:$0x7] =	stream.linear.gather [hbm4b:s7+s4], $0x2710, $0x38;
	[tilespmem:$0x1FEA0] =	vst v63  }
0x1a: {  	_ =	swait.ge [sflag:s12], $0x2710  }
0x1b: {  	[sflag:s12] =	ssyncset.done $0x0  }
0x1c: {  	s19 =	simm.s32 $0x15F90;
	[sflag:s12] =	ssyncadd.s32 $0xFFFFD8F0  }
0x1d: {  	[tilespmem:s19], [sflag:$0x7] =	stream.linear.gather [hbm4b:s8+s4], $0x2710, $0x38;
	[tilespmem:$0x1FEA0] =	vst v63  }
0x1e: {  	_ =	swait.ge [sflag:s12], $0x2710  }
0x1f: {  	[sflag:s12] =	ssyncset.done $0x0  }
0x20: {  	[sflag:s12] =	ssyncadd.s32 $0xFFFFD8F0  }
0x21: {  	[bflag:$0x0] =	sbarrier.arrive $0xFFFF  }
0x22: {  	[tilespmem:s16], [sflag:$0x1] =	stream.indirect.gather [hbm4b:s1+s15], $0x80, s13, s15, $0xb8;
	[tilespmem:$0x1FEA0] =	vst v63  }
0x23: {  	s29 =	simm.s32 $0x138D0  }
0x24: {  	[tilespmem:s18], [sflag:$0x2] =	stream.indirect.gather [hbm4b:s1+s15], $0x80, s29, s15, $0xb8;
	[tilespmem:$0x1FEA0] =	vst v63  }
0x25: {  	s29 =	simm.s32 $0x13920  }
0x26: {  	[tilespmem:s20], [sflag:$0x3] =	stream.indirect.gather [hbm4b:s1+s15], $0x80, s29, s15, $0xb8;
	[tilespmem:$0x1FEA0] =	vst v63  }
0x27: {  	_ =	swait.ge [sflag:s21], $0x2800  }
0x28: {  	[sflag:s21] =	ssyncset.done $0x0  }
0x29: {  	s29 =	simm.s32 $0x15F90;
	[sflag:s21] =	ssyncadd.s32 $0xFFFFD800  }
0x2a: {  	[spmem:s3] =	stream.indirect.scatter.add.f32 [tilespmem:s16], [sflag:$0x4], $0x80, s29, s15, $0xb8;
	[tilespmem:$0x1FEA0] =	vst v63  }
0x2b: {  	_ =	swait.ge [sflag:s22], $0x2800  }
0x2c: {  	[sflag:s22] =	ssyncset.done $0x0  }
0x2d: {  	s29 =	simm.s32 $0x13970;
	[sflag:s22] =	ssyncadd.s32 $0xFFFFD800  }
0x2e: {  	[tilespmem:s16], [sflag:$0x1] =	stream.indirect.gather [hbm4b:s1+s15], $0x80, s29, s15, $0xb8;
	[tilespmem:$0x1FEA0] =	vst v63  }
0x2f: {  	_ =	swait.ge [sflag:s23], $0x2800  }
0x30: {  	[sflag:s23] =	ssyncset.done $0x0  }
0x31: {  	s29 =	simm.s32 $0x15FE0;
	[sflag:s23] =	ssyncadd.s32 $0xFFFFD800  }
0x32: {  	[spmem:s3] =	stream.indirect.scatter.add.f32 [tilespmem:s18], [sflag:$0x5], $0x80, s29, s15, $0xb8;
	[tilespmem:$0x1FEA0] =	vst v63  }
0x33: {  	_ =	swait.ge [sflag:s24], $0x2800  }
0x34: {  	[sflag:s24] =	ssyncset.done $0x0  }
0x35: {  	s29 =	simm.s32 $0x139C0;
	[sflag:s24] =	ssyncadd.s32 $0xFFFFD800  }
0x36: {  	[tilespmem:s18], [sflag:$0x2] =	stream.indirect.gather [hbm4b:s1+s15], $0x80, s29, s15, $0xb8;
	[tilespmem:$0x1FEA0] =	vst v63  }
0x37: {  	_ =	swait.ge [sflag:s25], $0x2800  }
0x38: {  	[sflag:s25] =	ssyncset.done $0x0  }
0x39: {  	s29 =	simm.s32 $0x16030;
	[sflag:s25] =	ssyncadd.s32 $0xFFFFD800  }
0x3a: {  	[spmem:s3] =	stream.indirect.scatter.add.f32 [tilespmem:s20], [sflag:$0x6], $0x80, s29, s15, $0xb8;
	[tilespmem:$0x1FEA0] =	vst v63  }
0x3b: {  	_ =	swait.ge [sflag:s26], $0x2800  }
0x3c: {  	[sflag:s26] =	ssyncset.done $0x0  }
0x3d: {  	s28 =	simm.s32 $0x13A10;
	s19 =	simm.s32 $0x3C0;
	[sflag:s26] =	ssyncadd.s32 $0xFFFFD800  }
.LBB2_2:
0x3e: {  	[tilespmem:s20], [sflag:$0x3] =	stream.indirect.gather [hbm4b:s1+s15], $0x80, s28, s15, $0xb8;
	[tilespmem:$0x1FEA0] =	vst v63  }
0x3f: {  	s28 =	smov.u32 s19  }
0x40: {  	p0 =	sne.s32 s19, $0x9240;
	s19 =	sadd.s32 $0x3C0, s19;
	_ =	swait.ge [sflag:s21], $0x2800  }
0x41: {  	s28 =	sshra.s32 s28, $0x2;
	[sflag:s21] =	ssyncset.done $0x0  }
0x42: {  	s29 =	sadd.s32 $0x15F90, s28;
	[sflag:s21] =	ssyncadd.s32 $0xFFFFD800  }
0x43: {  	[spmem:s3] =	stream.indirect.scatter.add.f32 [tilespmem:s16], [sflag:$0x4], $0x80, s29, s15, $0xb8;
	[tilespmem:$0x1FEA0] =	vst v63  }
0x44: {  	_ =	swait.ge [sflag:s22], $0x2800  }
0x45: {  	[sflag:s22] =	ssyncset.done $0x0  }
0x46: {  	s29 =	sadd.s32 $0x13970, s28;
	[sflag:s22] =	ssyncadd.s32 $0xFFFFD800  }
0x47: {  	[tilespmem:s16], [sflag:$0x1] =	stream.indirect.gather [hbm4b:s1+s15], $0x80, s29, s15, $0xb8;
	[tilespmem:$0x1FEA0] =	vst v63  }
0x48: {  	_ =	swait.ge [sflag:s23], $0x2800  }
0x49: {  	[sflag:s23] =	ssyncset.done $0x0  }
0x4a: {  	s29 =	sadd.s32 $0x15FE0, s28;
	[sflag:s23] =	ssyncadd.s32 $0xFFFFD800  }
0x4b: {  	[spmem:s3] =	stream.indirect.scatter.add.f32 [tilespmem:s18], [sflag:$0x5], $0x80, s29, s15, $0xb8;
	[tilespmem:$0x1FEA0] =	vst v63  }
0x4c: {  	_ =	swait.ge [sflag:s24], $0x2800  }
0x4d: {  	[sflag:s24] =	ssyncset.done $0x0  }
0x4e: {  	s29 =	sadd.s32 $0x139C0, s28;
	[sflag:s24] =	ssyncadd.s32 $0xFFFFD800  }
0x4f: {  	[tilespmem:s18], [sflag:$0x2] =	stream.indirect.gather [hbm4b:s1+s15], $0x80, s29, s15, $0xb8;
	[tilespmem:$0x1FEA0] =	vst v63  }
0x50: {  	_ =	swait.ge [sflag:s25], $0x2800  }
0x51: {  	[sflag:s25] =	ssyncset.done $0x0  }
.Ltmp0:
0x52: {  	s29 =	sadd.s32 $0x16030, s28;
	[sflag:s25] =	ssyncadd.s32 $0xFFFFD800;
	(pc) =	sbr.rel @p0 .LBB2_2-.Ltmp0, $4  }
0x53: {  	[spmem:s3] =	stream.indirect.scatter.add.f32 [tilespmem:s20], [sflag:$0x6], $0x80, s29, s15, $0xb8;
	[tilespmem:$0x1FEA0] =	vst v63  }
0x54: {  	_ =	swait.ge [sflag:s26], $0x2800  }
0x55: {  	[sflag:s26] =	ssyncset.done $0x0  }
0x56: {  	s28 =	sadd.s32 $0x13A10, s28;
	[sflag:s26] =	ssyncadd.s32 $0xFFFFD800  }
0x57: {  	[tilespmem:s20], [sflag:$0x3] =	stream.indirect.gather [hbm4b:s1+s15], $0x80, s28, s15, $0xb8;
	[tilespmem:$0x1FEA0] =	vst v63  }
0x58: {  	_ =	swait.ge [sflag:s21], $0x2800  }
0x59: {  	[sflag:s21] =	ssyncset.done $0x0  }
0x5a: {  	s19 =	simm.s32 $0x18510;
	[sflag:s21] =	ssyncadd.s32 $0xFFFFD800  }
0x5b: {  	[spmem:s3] =	stream.indirect.scatter.add.f32 [tilespmem:s16], [sflag:$0x4], $0x80, s19, s15, $0xb8;
	[tilespmem:$0x1FEA0] =	vst v63  }
0x5c: {  	_ =	swait.ge [sflag:s22], $0x2800  }
0x5d: {  	[sflag:s22] =	ssyncset.done $0x0  }
0x5e: {  	s29 =	simm.s32 $0x15EF0;
	[sflag:s22] =	ssyncadd.s32 $0xFFFFD800  }
0x5f: {  	[tilespmem:s16], [sflag:$0x1] =	stream.indirect.gather [hbm4b:s1+s15], $0x80, s29, s15, $0xb8;
	[tilespmem:$0x1FEA0] =	vst v63  }
0x60: {  	_ =	swait.ge [sflag:s23], $0x2800  }
0x61: {  	[sflag:s23] =	ssyncset.done $0x0  }
0x62: {  	[sflag:s23] =	ssyncadd.s32 $0xFFFFD800  }
0x63: {  	[spmem:s3] =	stream.indirect.scatter.add.f32 [tilespmem:s18], [sflag:$0x5], $0x80, s30, s15, $0xb8;
	[tilespmem:$0x1FEA0] =	vst v63  }
0x64: {  	_ =	swait.ge [sflag:s24], $0x2800  }
0x65: {  	[sflag:s24] =	ssyncset.done $0x0  }
0x66: {  	[sflag:s24] =	ssyncadd.s32 $0xFFFFD800  }
0x67: {  	[tilespmem:s18], [sflag:$0x2] =	stream.indirect.gather [hbm4b:s1+s15], $0x80, s31, s15, $0xb8;
	[tilespmem:$0x1FEA0] =	vst v63  }
0x68: {  	_ =	swait.ge [sflag:s25], $0x2800  }
0x69: {  	[sflag:s25] =	ssyncset.done $0x0  }
0x6a: {  	[sflag:s25] =	ssyncadd.s32 $0xFFFFD800  }
0x6b: {  	[spmem:s3] =	stream.indirect.scatter.add.f32 [tilespmem:s20], [sflag:$0x6], $0x80, s0, s15, $0xb8;
	[tilespmem:$0x1FEA0] =	vst v63  }
0x6c: {  	_ =	swait.ge [sflag:s26], $0x2800  }
0x6d: {  	[sflag:s26] =	ssyncset.done $0x0  }
0x6e: {  	[sflag:s26] =	ssyncadd.s32 $0xFFFFD800  }
0x6f: {  	_ =	swait.ge [sflag:s21], $0x2800  }
0x70: {  	[sflag:s21] =	ssyncset.done $0x0  }
0x71: {  	[sflag:s21] =	ssyncadd.s32 $0xFFFFD800  }
0x72: {  	[spmem:s3] =	stream.indirect.scatter.add.f32 [tilespmem:s16], [sflag:$0x7], $0x80, s2, s15, $0xb8;
	[tilespmem:$0x1FEA0] =	vst v63  }
0x73: {  	_ =	swait.ge [sflag:s12], $0x2800  }
0x74: {  	[sflag:s12] =	ssyncset.done $0x0  }
0x75: {  	[sflag:s12] =	ssyncadd.s32 $0xFFFFD800  }
0x76: {  	_ =	swait.ge [sflag:s23], $0x2800  }
0x77: {  	[sflag:s23] =	ssyncset.done $0x0  }
0x78: {  	[sflag:s23] =	ssyncadd.s32 $0xFFFFD800  }
0x79: {  	[spmem:s3] =	stream.indirect.scatter.add.f32 [tilespmem:s18], [sflag:$0x7], $0x80, s14, s15, $0xb8;
	[tilespmem:$0x1FEA0] =	vst v63  }
0x7a: {  	_ =	swait.ge [sflag:s12], $0x2800  }
0x7b: {  	s17 =	sadd.s32 $0x1, s17;
	[sflag:s12] =	ssyncset.done $0x0  }
0x7c: {  	p0 =	sne.s32 s17, s10;
	[sflag:s12] =	ssyncadd.s32 $0xFFFFD800  }
.Ltmp1:
0x7d: {  	[bflag:$0x0] =	sbarrier.arrive $0xFFFF;
	(pc) =	sbr.rel @p0 .LBB2_1-.Ltmp1, $4  }
0x7e: {  	[hbm:s9], [sflag:s6] =	dma.local [spmem:s11], $0x2710  }
0x7f: {  	_ =	swait.ge [sflag:s12], $0x2710  }
0x80: {  	[sflag:s12] =	ssyncset.done $0x0  }
0x81: {  	[sflag:s12] =	ssyncadd.s32 $0xFFFFD8F0  }
0x82: {  	_ =	sfence.sel $0x180000  }
0x83: {  	[bflag:$0x0] =	sbarrier.arrive $0xFFFF  }
0x84: {  	_ =	strace $0x90000047  }
0x85: {  	s0 =	stileid.u32;
	[bflag:$0x2] =	sbarrier.arrive $0xFFFF  }
0x86: {  	p0 =	sne.s32 s0, $0x0;
	s0 =	rddreg [dreg:$0x5]  }
0x87: {  	s0 =	sadd.s32 @!p0 $0x100000, s0  }
0x88: {  	[sflag:s0] =	ssyncadd.tile.s32 @!p0 $0x1;
	_ =	shalt  }
.Lfunc_end2:
_tile_overlayer_lowered:
.L_overlay_start_2:
0x89: {  	(tag) =	ssettag $0x2  }
0x8a: {  	s0 =	rddreg [dreg:$0x0];
	s2 =	stileid.u32  }
0x8b: {  	s1 =	rddreg [dreg:$0x1];
	p0 =	sne.s32 s2, $0x0  }
0x8c: {  	s3 =	rddreg [dreg:$0x2];
	[bflag:$0x3] =	sbarrier.arrive $0xFFFF;
	s2 =	simm.s32 @!p0 $0x1C07  }
0x8d: {  	[timem:s3], [sflag:s2] =	dma.local @!p0 [hbm:s0], s1  }
0x8e: {  	s0 =	simm.s32 @!p0 $0x7  }
0x8f: {  	_ =	swait.ge @!p0 [sflag:s0], s1  }
0x90: {  	s1 =	ssub.s32 @!p0 $0x0, s1;
	[sflag:s0] =	ssyncset.done @!p0 $0x0  }
0x91: {  	[sflag:s0] =	ssyncadd.s32 @!p0 s1  }
0x92: {  	[bflag:$0x3] =	sbarrier.arrive $0xFFFF  }
0x93: {  	_ =	shalt  }

</sc_bundles>
